<compile_context>
chip_gen: v7x
topology: tpu7x:2x2x1
jax: 0.10.2.dev20260603
libtpu: 0.0.44.dev20260713+nightly
codegen_flags: <defaults>
</compile_context>

<pallas_src>
import functools

import jax
import jax.numpy as jnp
from jax import lax
from jax.experimental import pallas as pl
from jax.experimental.pallas import tpu as pltpu
import jax.experimental.pallas.tpu_sc as plsc

N = 10000
E = 320000
D = 128
OUT = 128
G = 64

NC = 2
NS = 16
NW = NC * NS
EW = E // NW
K = 80
CH = EW // K
RPS = N // NS

BN = 5000
NB = N // BN

_mesh = plsc.VectorSubcoreMesh(
    core_axis_name="c", subcore_axis_name="s", num_cores=NC, num_subcores=NS)



@functools.partial(
    pl.kernel,
    out_type=jax.ShapeDtypeStruct((NC, NS, RPS, D), jnp.float32),
    mesh=_mesh,
    scratch_types=[
        pltpu.VMEM((CH, K), jnp.int32),
        pltpu.VMEM((K, D), jnp.float32),
        pltpu.SemaphoreType.DMA,
        pltpu.VMEM_SHARED((N, D), jnp.float32),
    ],
)
def _sc_degree(dst_hbm, ones_hbm, zeros_hbm, out_hbm, idx_v, ones_v, ssem,
               acc_s):
    c = lax.axis_index("c")
    s = lax.axis_index("s")
    wid = c * NS + s
    zdesc = pltpu.async_copy(zeros_hbm, acc_s.at[pl.ds(s * RPS, RPS)], ssem)
    pltpu.sync_copy(dst_hbm.at[wid], idx_v)
    pltpu.sync_copy(ones_hbm, ones_v)
    zdesc.wait()
    plsc.subcore_barrier()

    W = 4

    def step(i, carry):
        @pl.when(i >= W)
        def _():
            pltpu.make_async_copy(ones_v, acc_s.at[idx_v.at[i]], ssem).wait()

        pltpu.async_copy(ones_v, acc_s.at[idx_v.at[i]], ssem, add=True)
        return carry

    lax.fori_loop(0, CH, step, 0)

    def drain(i, carry):
        pltpu.make_async_copy(ones_v, acc_s.at[idx_v.at[i]], ssem).wait()
        return carry

    lax.fori_loop(0, W, drain, 0)
    plsc.subcore_barrier()
    pltpu.sync_copy(acc_s.at[pl.ds(s * RPS, RPS)], out_hbm.at[c, s])


@functools.partial(
    pl.kernel,
    out_type=jax.ShapeDtypeStruct((NC, NS, RPS, D), jnp.float32),
    mesh=_mesh,
    scratch_types=[
        pltpu.VMEM((EW,), jnp.int32),
        pltpu.VMEM((2, K), jnp.int32),
        pltpu.VMEM((3, K, D), jnp.float32),
        pltpu.SemaphoreType.DMA,
        pltpu.SemaphoreType.DMA,
        pltpu.SemaphoreType.DMA,
        pltpu.VMEM_SHARED((N, D), jnp.float32),
    ],
)
def _sc_aggregate(g_hbm, src_hbm, dst_hbm, zeros_hbm, out_hbm,
                  src_v, dst_v, rows_v, gsem, ssem, dsem, acc_s):
    c = lax.axis_index("c")
    s = lax.axis_index("s")
    wid = c * NS + s
    zdesc = pltpu.async_copy(zeros_hbm, acc_s.at[pl.ds(s * RPS, RPS)], ssem)
    pltpu.sync_copy(src_hbm.at[wid], src_v)

    pltpu.async_copy(dst_hbm.at[wid, 0], dst_v.at[0], dsem)
    pltpu.async_copy(g_hbm.at[src_v.at[pl.ds(0, K)]], rows_v.at[0], gsem)
    pltpu.async_copy(g_hbm.at[src_v.at[pl.ds(K, K)]], rows_v.at[1], gsem)
    zdesc.wait()
    plsc.subcore_barrier()

    def step(t, carry):
        b = lax.rem(t, 3)
        db = lax.rem(t, 2)

        @pl.when(t >= 1)
        def _():
            pltpu.make_async_copy(
                rows_v.at[b], acc_s.at[dst_v.at[db]], ssem).wait()

        @pl.when(t + 1 < CH)
        def _():
            pltpu.async_copy(dst_hbm.at[wid, t + 1], dst_v.at[1 - db], dsem)

        @pl.when(t + 2 < CH)
        def _():
            pltpu.async_copy(
                g_hbm.at[src_v.at[pl.ds((t + 2) * K, K)]],
                rows_v.at[lax.rem(t + 2, 3)], gsem)

        pltpu.make_async_copy(
            g_hbm.at[src_v.at[pl.ds(t * K, K)]], rows_v.at[b], gsem).wait()
        pltpu.make_async_copy(dst_hbm.at[wid, t], dst_v.at[db], dsem).wait()
        pltpu.async_copy(rows_v.at[b], acc_s.at[dst_v.at[db]], ssem, add=True)
        return carry

    lax.fori_loop(0, CH, step, 0)
    pltpu.make_async_copy(rows_v.at[0], acc_s.at[dst_v.at[0]], ssem).wait()
    plsc.subcore_barrier()
    pltpu.sync_copy(acc_s.at[pl.ds(s * RPS, RPS)], out_hbm.at[c, s])



def _enc_body(x_ref, win_ref, bin_ref, w1_ref, dega_ref, degb_ref,
              g_ref, dinv_ref):
    deg = dega_ref[...][:, 0:1] + degb_ref[...][:, 0:1] + 1.0
    dinv = lax.rsqrt(deg)
    h = jnp.dot(x_ref[...], win_ref[...],
                preferred_element_type=jnp.float32) + bin_ref[...]
    hw = jnp.dot(h, w1_ref[...], preferred_element_type=jnp.float32)
    g_ref[...] = hw * dinv
    dinv_ref[...] = jnp.broadcast_to(dinv, (BN, 16))


def _post_body(a0_ref, a1_ref, g_ref, dinv_ref, b_ref, w_ref, gout_ref):
    dinv = dinv_ref[...][:, 0:1]
    h = dinv * (a0_ref[...] + a1_ref[...] + g_ref[...]) + b_ref[...]
    h = jnp.maximum(h, 0.0)
    gout_ref[...] = jnp.dot(h, w_ref[...],
                            preferred_element_type=jnp.float32) * dinv


def _final_body(a0_ref, a1_ref, g_ref, dinv_ref, b_ref, wc_ref, bc_ref,
                batch_ref, out_ref, sums, counts):
    j = pl.program_id(0)

    @pl.when(j == 0)
    def _():
        sums[...] = jnp.zeros_like(sums)
        counts[...] = jnp.zeros_like(counts)

    dinv = dinv_ref[...][:, 0:1]
    h = dinv * (a0_ref[...] + a1_ref[...] + g_ref[...]) + b_ref[...]
    y = jnp.dot(h, wc_ref[...], preferred_element_type=jnp.float32) + bc_ref[...]
    b = batch_ref[...].reshape(1, BN)
    onehot = (lax.broadcasted_iota(jnp.int32, (G, BN), 0) == b
              ).astype(jnp.float32)
    sums[...] += jnp.dot(onehot, y, preferred_element_type=jnp.float32)
    counts[...] += jnp.sum(onehot, axis=1, keepdims=True)
    out_ref[...] = sums[...] / jnp.maximum(counts[...], 1.0)


_row = lambda j: (j, 0)
_fix = lambda j: (0, 0)
_BLK = lambda shape, im: pl.BlockSpec(shape, im)


def _tc_encoder(x, w_in, b_in, w1, dega, degb):
    return pl.pallas_call(
        _enc_body,
        grid=(NB,),
        in_specs=[
            _BLK((BN, D), _row), _BLK((D, D), _fix), _BLK((1, D), _fix),
            _BLK((D, D), _fix), _BLK((BN, D), _row), _BLK((BN, D), _row),
        ],
        out_specs=[_BLK((BN, D), _row), _BLK((BN, 16), _row)],
        out_shape=[
            jax.ShapeDtypeStruct((N, D), jnp.float32),
            jax.ShapeDtypeStruct((N, 16), jnp.float32),
        ],
    )(x, w_in, b_in, w1, dega, degb)


def _tc_post(a0, a1, g, dinv, b, w):
    return pl.pallas_call(
        _post_body,
        grid=(NB,),
        in_specs=[
            _BLK((BN, D), _row), _BLK((BN, D), _row), _BLK((BN, D), _row),
            _BLK((BN, 16), _row), _BLK((1, D), _fix), _BLK((D, D), _fix),
        ],
        out_specs=_BLK((BN, D), _row),
        out_shape=jax.ShapeDtypeStruct((N, D), jnp.float32),
    )(a0, a1, g, dinv, b, w)


def _tc_final(a0, a1, g, dinv, b3, w_cls, b_cls, batch3):
    return pl.pallas_call(
        _final_body,
        grid=(NB,),
        in_specs=[
            _BLK((BN, D), _row), _BLK((BN, D), _row), _BLK((BN, D), _row),
            _BLK((BN, 16), _row), _BLK((1, D), _fix), _BLK((D, OUT), _fix),
            _BLK((1, OUT), _fix),
            pl.BlockSpec((1, 1, BN), lambda j: (j, 0, 0)),
        ],
        out_specs=_BLK((G, OUT), _fix),
        out_shape=jax.ShapeDtypeStruct((G, OUT), jnp.float32),
        scratch_shapes=[
            pltpu.VMEM((G, OUT), jnp.float32),
            pltpu.VMEM((G, 1), jnp.float32),
        ],
    )(a0, a1, g, dinv, b3, w_cls, b_cls, batch3)



def kernel(x, edge_index, batch, W_in, b_in, W1, b1, W2, b2, W3, b3,
           W_cls, b_cls):
    src2 = edge_index[0].reshape(NW, EW)
    dst3 = edge_index[1].reshape(NW, CH, K)
    batch3 = batch.reshape(NB, 1, BN)

    onesD = jnp.ones((K, D), jnp.float32)
    zerosD = jnp.zeros((RPS, D), jnp.float32)

    deg4 = _sc_degree(dst3, onesD, zerosD)
    dega = deg4[0].reshape(N, D)
    degb = deg4[1].reshape(N, D)

    g1, dinv = _tc_encoder(x, W_in, b_in.reshape(1, D), W1, dega, degb)

    acc = _sc_aggregate(g1, src2, dst3, zerosD)
    g2 = _tc_post(acc[0].reshape(N, D), acc[1].reshape(N, D), g1, dinv,
                  b1.reshape(1, D), W2)

    acc = _sc_aggregate(g2, src2, dst3, zerosD)
    g3 = _tc_post(acc[0].reshape(N, D), acc[1].reshape(N, D), g2, dinv,
                  b2.reshape(1, D), W3)

    acc = _sc_aggregate(g3, src2, dst3, zerosD)
    pooled = _tc_final(acc[0].reshape(N, D), acc[1].reshape(N, D), g3, dinv,
                       b3.reshape(1, D), W_cls, b_cls.reshape(1, OUT), batch3)
    return pooled

# --- scband reference (transcript-rebuilt; emitter-appended) ---
"""Pipeline reference for scband-vanilla-27324581937611 (READ-ONLY COPY).

The authoritative reference and input builder live on the scoring server;
editing this copy changes nothing except your own understanding.
"""

import jax, jax.numpy as jnp
import numpy as np

N = 10000
E = 320000
D = 128
OUT = 128
G = 64
HOPS = 3


def setup_inputs(seed: int = 0) -> dict:
    key = jax.random.key(seed)
    ks = jax.random.split(key, 16)
    x = jax.random.normal(ks[0], (N, D), dtype=jnp.float32)
    edge_index = jax.random.randint(ks[1], (2, E), 0, N, dtype=jnp.int32)
    batch = jnp.sort(jax.random.randint(ks[2], (N,), 0, G, dtype=jnp.int32))
    s = 1.0 / np.sqrt(D)
    W_in = jax.random.normal(ks[3], (D, D), dtype=jnp.float32) * s
    b_in = jnp.zeros((D,), dtype=jnp.float32)
    W1 = jax.random.normal(ks[4], (D, D), dtype=jnp.float32) * s
    b1 = jnp.zeros((D,), dtype=jnp.float32)
    W2 = jax.random.normal(ks[5], (D, D), dtype=jnp.float32) * s
    b2 = jnp.zeros((D,), dtype=jnp.float32)
    W3 = jax.random.normal(ks[6], (D, D), dtype=jnp.float32) * s
    b3 = jnp.zeros((D,), dtype=jnp.float32)
    W_cls = jax.random.normal(ks[7], (D, OUT), dtype=jnp.float32) * s
    b_cls = jnp.zeros((OUT,), dtype=jnp.float32)
    return {"x": x, "edge_index": edge_index, "batch": batch,
            "W_in": W_in, "b_in": b_in, "W1": W1, "b1": b1,
            "W2": W2, "b2": b2, "W3": W3, "b3": b3,
            "W_cls": W_cls, "b_cls": b_cls}


def _gcn_conv(h, src, dst, W, b):
    # PyG GCNConv: add self-loops, sym-normalized scatter-add aggregation
    deg = jax.ops.segment_sum(jnp.ones_like(src, dtype=h.dtype), dst, num_segments=N)
    dinv = jax.lax.rsqrt(jnp.maximum(deg, 1e-12))
    norm = dinv[src] * dinv[dst]
    hw = h @ W
    msg = hw[src] * norm[:, None]
    out = jax.ops.segment_sum(msg, dst, num_segments=N)
    return out + b


def reference(x, edge_index, batch, W_in, b_in, W1, b1, W2, b2, W3, b3, W_cls, b_cls):
    loops = jnp.arange(N, dtype=edge_index.dtype)
    src = jnp.concatenate([edge_index[0], loops])
    dst = jnp.concatenate([edge_index[1], loops])
    # LinearEncoder
    h = x @ W_in + b_in
    Ws = [(W1, b1), (W2, b2), (W3, b3)]
    for i in range(HOPS):
        W, b = Ws[i]
        h = _gcn_conv(h, src, dst, W, b)
        if i != HOPS - 1:
            h = jax.nn.relu(h)
            # dropout=0.0 / eval mode -> identity
    y = h @ W_cls + b_cls
    # global_mean_pool over graph ids
    sums = jax.ops.segment_sum(y, batch, num_segments=G)
    counts = jax.ops.segment_sum(jnp.ones((N,), dtype=y.dtype), batch, num_segments=G)
    pooled = sums / jnp.maximum(counts, 1.0)[:, None]
    return pooled

if __name__ == "__main__":
    import jax
    _d = setup_inputs()
    print(jax.jit(kernel)(*tuple(_d.values())))

</pallas_src>

<mosaic_0001>
#map = affine_map<(d0, d1) -> (0, 0, 0)>
#map1 = affine_map<(d0, d1) -> (0, 0)>
#map2 = affine_map<(d0, d1) -> (0, 0, 0, 0)>
module attributes {stable_mosaic.version = 14 : i64} {
  func.func @_sc_degree(%arg0: i32, %arg1: i32, %arg2: memref<32x125x80xi32, #tpu.memory_space<hbm>>, %arg3: memref<80x128xf32, #tpu.memory_space<hbm>>, %arg4: memref<625x128xf32, #tpu.memory_space<hbm>>, %arg5: memref<2x16x625x128xf32, #tpu.memory_space<hbm>>, %arg6: memref<125x80xi32, #tpu.memory_space<vmem>>, %arg7: memref<80x128xf32, #tpu.memory_space<vmem>>, %arg8: memref<!tpu.dma_semaphore, #tpu.memory_space<semaphore_mem>>, %arg9: memref<10000x128xf32, #tpu.memory_space<vmem_shared>>) attributes {dimension_semantics = [#tpu.dimension_semantics<core_parallel>, #tpu.dimension_semantics<subcore_parallel>], iteration_bounds = array<i64: 2, 16>, scalar_prefetch = 0 : i64, scratch_operands = 4 : i64, tpu.core_type = #tpu.core_type<sc_vector_subcore>, window_params = [{transform_indices = #map}, {transform_indices = #map1}, {transform_indices = #map1}, {transform_indices = #map2}]} {
    %mul3A = arith.constant 16 : i32
    %mul3A_0 = arith.muli %arg0, %mul3A : i32
    %add3A = arith.addi %mul3A_0, %arg1 : i32
    %mul3A_1 = arith.constant 625 : i32
    %mul3A_2 = arith.muli %arg1, %mul3A_1 : i32
    %dma_start3A = arith.constant 0 : i32
    %dma_start3A_3 = tpu.memref_slice %arg9[%mul3A_2, %dma_start3A] : memref<10000x128xf32, #tpu.memory_space<vmem_shared>> -> memref<625x128xf32, #tpu.memory_space<vmem_shared>>
    tpu.enqueue_dma source(%arg4 : memref<625x128xf32, #tpu.memory_space<hbm>>) target(%dma_start3A_3 : memref<625x128xf32, #tpu.memory_space<vmem_shared>>) target_semaphore(%arg8 : memref<!tpu.dma_semaphore, #tpu.memory_space<semaphore_mem>>)
    "tpu.region"() ({
      %run_scoped3A = tpu.sem_alloc : memref<!tpu.dma_semaphore, #tpu.memory_space<semaphore_mem>>
      %dma_start3A_19 = arith.constant 0 : i32
      %dma_start3A_20 = arith.constant 0 : i32
      %dma_start3A_21 = tpu.memref_slice %arg2[%add3A, %dma_start3A_19, %dma_start3A_20] : memref<32x125x80xi32, #tpu.memory_space<hbm>> -> memref<1x125x80xi32, #tpu.memory_space<hbm>>
      %dma_start3A_22 = tpu.memref_squeeze %dma_start3A_21 : memref<1x125x80xi32, #tpu.memory_space<hbm>> -> memref<125x80xi32, #tpu.memory_space<hbm>>
      %dma_start3A_23 = arith.constant 0 : i32
      %dma_start3A_24 = arith.constant 0 : i32
      %dma_start3A_25 = tpu.memref_slice %arg2[%add3A, %dma_start3A_23, %dma_start3A_24] : memref<32x125x80xi32, #tpu.memory_space<hbm>> -> memref<1x125x80xi32, #tpu.memory_space<hbm>>
      %dma_start3A_26 = tpu.memref_squeeze %dma_start3A_25 : memref<1x125x80xi32, #tpu.memory_space<hbm>> -> memref<125x80xi32, #tpu.memory_space<hbm>>
      tpu.enqueue_dma source(%dma_start3A_26 : memref<125x80xi32, #tpu.memory_space<hbm>>) target(%arg6 : memref<125x80xi32, #tpu.memory_space<vmem>>) target_semaphore(%run_scoped3A : memref<!tpu.dma_semaphore, #tpu.memory_space<semaphore_mem>>)
      %dma_wait3A_27 = arith.constant 0 : i32
      %dma_wait3A_28 = arith.constant 0 : i32
      %dma_wait3A_29 = tpu.memref_slice %arg2[%add3A, %dma_wait3A_27, %dma_wait3A_28] : memref<32x125x80xi32, #tpu.memory_space<hbm>> -> memref<1x125x80xi32, #tpu.memory_space<hbm>>
      %dma_wait3A_30 = tpu.memref_squeeze %dma_wait3A_29 : memref<1x125x80xi32, #tpu.memory_space<hbm>> -> memref<125x80xi32, #tpu.memory_space<hbm>>
      %dma_wait3A_31 = arith.constant 0 : i32
      %dma_wait3A_32 = arith.constant 0 : i32
      %dma_wait3A_33 = tpu.memref_slice %arg2[%add3A, %dma_wait3A_31, %dma_wait3A_32] : memref<32x125x80xi32, #tpu.memory_space<hbm>> -> memref<1x125x80xi32, #tpu.memory_space<hbm>>
      %dma_wait3A_34 = tpu.memref_squeeze %dma_wait3A_33 : memref<1x125x80xi32, #tpu.memory_space<hbm>> -> memref<125x80xi32, #tpu.memory_space<hbm>>
      tpu.wait_dma2 semaphore(%run_scoped3A : memref<!tpu.dma_semaphore, #tpu.memory_space<semaphore_mem>>) src(%dma_wait3A_34 : memref<125x80xi32, #tpu.memory_space<hbm>>) dst(%arg6 : memref<125x80xi32, #tpu.memory_space<vmem>>)
      tpu.yield
    }) : () -> ()
    "tpu.region"() ({
      %run_scoped3A = tpu.sem_alloc : memref<!tpu.dma_semaphore, #tpu.memory_space<semaphore_mem>>
      tpu.enqueue_dma source(%arg3 : memref<80x128xf32, #tpu.memory_space<hbm>>) target(%arg7 : memref<80x128xf32, #tpu.memory_space<vmem>>) target_semaphore(%run_scoped3A : memref<!tpu.dma_semaphore, #tpu.memory_space<semaphore_mem>>)
      tpu.wait_dma2 semaphore(%run_scoped3A : memref<!tpu.dma_semaphore, #tpu.memory_space<semaphore_mem>>) src(%arg3 : memref<80x128xf32, #tpu.memory_space<hbm>>) dst(%arg7 : memref<80x128xf32, #tpu.memory_space<vmem>>)
      tpu.yield
    }) : () -> ()
    %dma_wait3A = arith.constant 0 : i32
    %dma_wait3A_4 = tpu.memref_slice %arg9[%mul3A_2, %dma_wait3A] : memref<10000x128xf32, #tpu.memory_space<vmem_shared>> -> memref<625x128xf32, #tpu.memory_space<vmem_shared>>
    tpu.wait_dma2 semaphore(%arg8 : memref<!tpu.dma_semaphore, #tpu.memory_space<semaphore_mem>>) src(%arg4 : memref<625x128xf32, #tpu.memory_space<hbm>>) dst(%dma_wait3A_4 : memref<625x128xf32, #tpu.memory_space<vmem_shared>>)
    %barrier3A = arith.constant 0 : index
    tpu.barrier barrier_id(%barrier3A)
    %scan3A = arith.constant 0 : i32
    %scan3A_5 = arith.constant 0 : i32
    %scan3A_6 = arith.constant 125 : i32
    %scan3A_7 = arith.addi %scan3A_5, %scan3A_6 : i32
    %scan3A_8 = arith.constant 1 : i32
    scf.for %scan3A_19 = %scan3A_5 to %scan3A_7 step %scan3A_8  : i32 {
      %ge3A = arith.constant 4 : i32
      %ge3A_20 = arith.cmpi sge, %scan3A_19, %ge3A : i32
      %convert_element_type3A = arith.extui %ge3A_20 : i1 to i32
      %cond3A = arith.constant 0 : i32
      %cond3A_21 = arith.cmpi ne, %convert_element_type3A, %cond3A : i32
      scf.if %cond3A_21 {
        %dma_wait3A_28 = arith.constant 0 : i32
        %dma_wait3A_29 = tpu.memref_slice %arg6[%scan3A_19, %dma_wait3A_28] : memref<125x80xi32, #tpu.memory_space<vmem>> -> memref<1x80xi32, #tpu.memory_space<vmem>>
        %dma_wait3A_30 = tpu.memref_squeeze %dma_wait3A_29 : memref<1x80xi32, #tpu.memory_space<vmem>> -> memref<80xi32, #tpu.memory_space<vmem>>
        %dma_wait3A_31 = arith.constant 0 : i32
        %dma_wait3A_32 = arith.constant 0 : i32
        %dma_wait3A_33 = tpu.memref_slice %arg9[%dma_wait3A_31, %dma_wait3A_32] : memref<10000x128xf32, #tpu.memory_space<vmem_shared>> -> memref<10000x128xf32, #tpu.memory_space<vmem_shared>>
        tpu.wait_indirect_dma semaphore(%arg8 : memref<!tpu.dma_semaphore, #tpu.memory_space<semaphore_mem>>) src(%arg7 : memref<80x128xf32, #tpu.memory_space<vmem>>) dst(%dma_wait3A_33 : memref<10000x128xf32, #tpu.memory_space<vmem_shared>>)
      } else {
      }
      %dma_start3A_22 = arith.constant 0 : i32
      %dma_start3A_23 = tpu.memref_slice %arg6[%scan3A_19, %dma_start3A_22] : memref<125x80xi32, #tpu.memory_space<vmem>> -> memref<1x80xi32, #tpu.memory_space<vmem>>
      %dma_start3A_24 = tpu.memref_squeeze %dma_start3A_23 : memref<1x80xi32, #tpu.memory_space<vmem>> -> memref<80xi32, #tpu.memory_space<vmem>>
      %dma_start3A_25 = arith.constant 0 : i32
      %dma_start3A_26 = arith.constant 0 : i32
      %dma_start3A_27 = tpu.memref_slice %arg9[%dma_start3A_25, %dma_start3A_26] : memref<10000x128xf32, #tpu.memory_space<vmem_shared>> -> memref<10000x128xf32, #tpu.memory_space<vmem_shared>>
      tpu.enqueue_indirect_dma source(%arg7 : memref<80x128xf32, #tpu.memory_space<vmem>>) target(%dma_start3A_27 : memref<10000x128xf32, #tpu.memory_space<vmem_shared>>) offsets(%dma_start3A_24 : memref<80xi32, #tpu.memory_space<vmem>>) semaphore(%arg8 : memref<!tpu.dma_semaphore, #tpu.memory_space<semaphore_mem>>) {add = true}
    }
    %scan3A_9 = arith.constant 125 : i32
    %scan3A_10 = arith.constant 0 : i32
    %scan3A_11 = arith.constant 0 : i32
    %scan3A_12 = arith.constant 4 : i32
    %scan3A_13 = arith.addi %scan3A_11, %scan3A_12 : i32
    %scan3A_14 = arith.constant 1 : i32
    scf.for %scan3A_19 = %scan3A_11 to %scan3A_13 step %scan3A_14  : i32 {
      %dma_wait3A_20 = arith.constant 0 : i32
      %dma_wait3A_21 = tpu.memref_slice %arg6[%scan3A_19, %dma_wait3A_20] : memref<125x80xi32, #tpu.memory_space<vmem>> -> memref<1x80xi32, #tpu.memory_space<vmem>>
      %dma_wait3A_22 = tpu.memref_squeeze %dma_wait3A_21 : memref<1x80xi32, #tpu.memory_space<vmem>> -> memref<80xi32, #tpu.memory_space<vmem>>
      %dma_wait3A_23 = arith.constant 0 : i32
      %dma_wait3A_24 = arith.constant 0 : i32
      %dma_wait3A_25 = tpu.memref_slice %arg9[%dma_wait3A_23, %dma_wait3A_24] : memref<10000x128xf32, #tpu.memory_space<vmem_shared>> -> memref<10000x128xf32, #tpu.memory_space<vmem_shared>>
      tpu.wait_indirect_dma semaphore(%arg8 : memref<!tpu.dma_semaphore, #tpu.memory_space<semaphore_mem>>) src(%arg7 : memref<80x128xf32, #tpu.memory_space<vmem>>) dst(%dma_wait3A_25 : memref<10000x128xf32, #tpu.memory_space<vmem_shared>>)
    }
    %scan3A_15 = arith.constant 4 : i32
    %barrier3A_16 = arith.constant 0 : index
    tpu.barrier barrier_id(%barrier3A_16)
    %mul3A_17 = arith.constant 625 : i32
    %mul3A_18 = arith.muli %arg1, %mul3A_17 : i32
    "tpu.region"() ({
      %run_scoped3A = tpu.sem_alloc : memref<!tpu.dma_semaphore, #tpu.memory_space<semaphore_mem>>
      %dma_start3A_19 = arith.constant 0 : i32
      %dma_start3A_20 = arith.constant 0 : i32
      %dma_start3A_21 = tpu.memref_slice %arg5[%arg0, %arg1, %dma_start3A_19, %dma_start3A_20] : memref<2x16x625x128xf32, #tpu.memory_space<hbm>> -> memref<1x1x625x128xf32, #tpu.memory_space<hbm>>
      %dma_start3A_22 = tpu.memref_squeeze %dma_start3A_21 : memref<1x1x625x128xf32, #tpu.memory_space<hbm>> -> memref<625x128xf32, #tpu.memory_space<hbm>>
      %dma_start3A_23 = arith.constant 0 : i32
      %dma_start3A_24 = tpu.memref_slice %arg9[%mul3A_18, %dma_start3A_23] : memref<10000x128xf32, #tpu.memory_space<vmem_shared>> -> memref<625x128xf32, #tpu.memory_space<vmem_shared>>
      tpu.enqueue_dma source(%dma_start3A_24 : memref<625x128xf32, #tpu.memory_space<vmem_shared>>) target(%dma_start3A_22 : memref<625x128xf32, #tpu.memory_space<hbm>>) target_semaphore(%run_scoped3A : memref<!tpu.dma_semaphore, #tpu.memory_space<semaphore_mem>>)
      %dma_wait3A_25 = arith.constant 0 : i32
      %dma_wait3A_26 = arith.constant 0 : i32
      %dma_wait3A_27 = tpu.memref_slice %arg5[%arg0, %arg1, %dma_wait3A_25, %dma_wait3A_26] : memref<2x16x625x128xf32, #tpu.memory_space<hbm>> -> memref<1x1x625x128xf32, #tpu.memory_space<hbm>>
      %dma_wait3A_28 = tpu.memref_squeeze %dma_wait3A_27 : memref<1x1x625x128xf32, #tpu.memory_space<hbm>> -> memref<625x128xf32, #tpu.memory_space<hbm>>
      %dma_wait3A_29 = arith.constant 0 : i32
      %dma_wait3A_30 = tpu.memref_slice %arg9[%mul3A_18, %dma_wait3A_29] : memref<10000x128xf32, #tpu.memory_space<vmem_shared>> -> memref<625x128xf32, #tpu.memory_space<vmem_shared>>
      tpu.wait_dma2 semaphore(%run_scoped3A : memref<!tpu.dma_semaphore, #tpu.memory_space<semaphore_mem>>) src(%dma_wait3A_30 : memref<625x128xf32, #tpu.memory_space<vmem_shared>>) dst(%dma_wait3A_28 : memref<625x128xf32, #tpu.memory_space<hbm>>)
      tpu.yield
    }) : () -> ()
    return
  }
}

#map = affine_map<(d0, d1) -> (0, 0)>
#map1 = affine_map<(d0, d1) -> (0, 0, 0)>
#map2 = affine_map<(d0, d1) -> (0, 0, 0, 0)>
module attributes {stable_mosaic.version = 14 : i64} {
  func.func @_sc_aggregate(%arg0: i32, %arg1: i32, %arg2: memref<10000x128xf32, #tpu.memory_space<hbm>>, %arg3: memref<32x10000xi32, #tpu.memory_space<hbm>>, %arg4: memref<32x125x80xi32, #tpu.memory_space<hbm>>, %arg5: memref<625x128xf32, #tpu.memory_space<hbm>>, %arg6: memref<2x16x625x128xf32, #tpu.memory_space<hbm>>, %arg7: memref<10000xi32, #tpu.memory_space<vmem>>, %arg8: memref<2x80xi32, #tpu.memory_space<vmem>>, %arg9: memref<3x80x128xf32, #tpu.memory_space<vmem>>, %arg10: memref<!tpu.dma_semaphore, #tpu.memory_space<semaphore_mem>>, %arg11: memref<!tpu.dma_semaphore, #tpu.memory_space<semaphore_mem>>, %arg12: memref<!tpu.dma_semaphore, #tpu.memory_space<semaphore_mem>>, %arg13: memref<10000x128xf32, #tpu.memory_space<vmem_shared>>) attributes {dimension_semantics = [#tpu.dimension_semantics<core_parallel>, #tpu.dimension_semantics<subcore_parallel>], iteration_bounds = array<i64: 2, 16>, scalar_prefetch = 0 : i64, scratch_operands = 7 : i64, tpu.core_type = #tpu.core_type<sc_vector_subcore>, window_params = [{transform_indices = #map}, {transform_indices = #map}, {transform_indices = #map1}, {transform_indices = #map}, {transform_indices = #map2}]} {
    %mul3A = arith.constant 16 : i32
    %mul3A_0 = arith.muli %arg0, %mul3A : i32
    %add3A = arith.addi %mul3A_0, %arg1 : i32
    %mul3A_1 = arith.constant 625 : i32
    %mul3A_2 = arith.muli %arg1, %mul3A_1 : i32
    %dma_start3A = arith.constant 0 : i32
    %dma_start3A_3 = tpu.memref_slice %arg13[%mul3A_2, %dma_start3A] : memref<10000x128xf32, #tpu.memory_space<vmem_shared>> -> memref<625x128xf32, #tpu.memory_space<vmem_shared>>
    tpu.enqueue_dma source(%arg5 : memref<625x128xf32, #tpu.memory_space<hbm>>) target(%dma_start3A_3 : memref<625x128xf32, #tpu.memory_space<vmem_shared>>) target_semaphore(%arg11 : memref<!tpu.dma_semaphore, #tpu.memory_space<semaphore_mem>>)
    "tpu.region"() ({
      %run_scoped3A = tpu.sem_alloc : memref<!tpu.dma_semaphore, #tpu.memory_space<semaphore_mem>>
      %dma_start3A_59 = arith.constant 0 : i32
      %dma_start3A_60 = tpu.memref_slice %arg3[%add3A, %dma_start3A_59] : memref<32x10000xi32, #tpu.memory_space<hbm>> -> memref<1x10000xi32, #tpu.memory_space<hbm>>
      %dma_start3A_61 = tpu.memref_squeeze %dma_start3A_60 : memref<1x10000xi32, #tpu.memory_space<hbm>> -> memref<10000xi32, #tpu.memory_space<hbm>>
      %dma_start3A_62 = arith.constant 0 : i32
      %dma_start3A_63 = tpu.memref_slice %arg3[%add3A, %dma_start3A_62] : memref<32x10000xi32, #tpu.memory_space<hbm>> -> memref<1x10000xi32, #tpu.memory_space<hbm>>
      %dma_start3A_64 = tpu.memref_squeeze %dma_start3A_63 : memref<1x10000xi32, #tpu.memory_space<hbm>> -> memref<10000xi32, #tpu.memory_space<hbm>>
      tpu.enqueue_dma source(%dma_start3A_64 : memref<10000xi32, #tpu.memory_space<hbm>>) target(%arg7 : memref<10000xi32, #tpu.memory_space<vmem>>) target_semaphore(%run_scoped3A : memref<!tpu.dma_semaphore, #tpu.memory_space<semaphore_mem>>)
      %dma_wait3A_65 = arith.constant 0 : i32
      %dma_wait3A_66 = tpu.memref_slice %arg3[%add3A, %dma_wait3A_65] : memref<32x10000xi32, #tpu.memory_space<hbm>> -> memref<1x10000xi32, #tpu.memory_space<hbm>>
      %dma_wait3A_67 = tpu.memref_squeeze %dma_wait3A_66 : memref<1x10000xi32, #tpu.memory_space<hbm>> -> memref<10000xi32, #tpu.memory_space<hbm>>
      %dma_wait3A_68 = arith.constant 0 : i32
      %dma_wait3A_69 = tpu.memref_slice %arg3[%add3A, %dma_wait3A_68] : memref<32x10000xi32, #tpu.memory_space<hbm>> -> memref<1x10000xi32, #tpu.memory_space<hbm>>
      %dma_wait3A_70 = tpu.memref_squeeze %dma_wait3A_69 : memref<1x10000xi32, #tpu.memory_space<hbm>> -> memref<10000xi32, #tpu.memory_space<hbm>>
      tpu.wait_dma2 semaphore(%run_scoped3A : memref<!tpu.dma_semaphore, #tpu.memory_space<semaphore_mem>>) src(%dma_wait3A_70 : memref<10000xi32, #tpu.memory_space<hbm>>) dst(%arg7 : memref<10000xi32, #tpu.memory_space<vmem>>)
      tpu.yield
    }) : () -> ()
    %dma_start3A_4 = arith.constant 0 : i32
    %dma_start3A_5 = arith.constant 0 : i32
    %dma_start3A_6 = arith.constant 0 : i32
    %dma_start3A_7 = tpu.memref_slice %arg8[%dma_start3A_5, %dma_start3A_6] : memref<2x80xi32, #tpu.memory_space<vmem>> -> memref<1x80xi32, #tpu.memory_space<vmem>>
    %dma_start3A_8 = tpu.memref_squeeze %dma_start3A_7 : memref<1x80xi32, #tpu.memory_space<vmem>> -> memref<80xi32, #tpu.memory_space<vmem>>
    %dma_start3A_9 = arith.constant 0 : i32
    %dma_start3A_10 = tpu.memref_slice %arg4[%add3A, %dma_start3A_4, %dma_start3A_9] : memref<32x125x80xi32, #tpu.memory_space<hbm>> -> memref<1x1x80xi32, #tpu.memory_space<hbm>>
    %dma_start3A_11 = tpu.memref_squeeze %dma_start3A_10 : memref<1x1x80xi32, #tpu.memory_space<hbm>> -> memref<80xi32, #tpu.memory_space<hbm>>
    %dma_start3A_12 = arith.constant 0 : i32
    %dma_start3A_13 = tpu.memref_slice %arg8[%dma_start3A_5, %dma_start3A_12] : memref<2x80xi32, #tpu.memory_space<vmem>> -> memref<1x80xi32, #tpu.memory_space<vmem>>
    %dma_start3A_14 = tpu.memref_squeeze %dma_start3A_13 : memref<1x80xi32, #tpu.memory_space<vmem>> -> memref<80xi32, #tpu.memory_space<vmem>>
    %dma_start3A_15 = arith.constant 0 : i32
    %dma_start3A_16 = tpu.memref_slice %arg4[%add3A, %dma_start3A_4, %dma_start3A_15] : memref<32x125x80xi32, #tpu.memory_space<hbm>> -> memref<1x1x80xi32, #tpu.memory_space<hbm>>
    %dma_start3A_17 = tpu.memref_squeeze %dma_start3A_16 : memref<1x1x80xi32, #tpu.memory_space<hbm>> -> memref<80xi32, #tpu.memory_space<hbm>>
    tpu.enqueue_dma source(%dma_start3A_17 : memref<80xi32, #tpu.memory_space<hbm>>) target(%dma_start3A_14 : memref<80xi32, #tpu.memory_space<vmem>>) target_semaphore(%arg12 : memref<!tpu.dma_semaphore, #tpu.memory_space<semaphore_mem>>)
    %dma_start3A_18 = arith.constant 0 : i32
    %dma_start3A_19 = arith.constant 0 : i32
    %dma_start3A_20 = arith.constant 0 : i32
    %dma_start3A_21 = tpu.memref_slice %arg9[%dma_start3A_18, %dma_start3A_19, %dma_start3A_20] : memref<3x80x128xf32, #tpu.memory_space<vmem>> -> memref<1x80x128xf32, #tpu.memory_space<vmem>>
    %dma_start3A_22 = tpu.memref_squeeze %dma_start3A_21 : memref<1x80x128xf32, #tpu.memory_space<vmem>> -> memref<80x128xf32, #tpu.memory_space<vmem>>
    %dma_start3A_23 = arith.constant 0 : i32
    %dma_start3A_24 = tpu.memref_slice %arg7[%dma_start3A_23] : memref<10000xi32, #tpu.memory_space<vmem>> -> memref<80xi32, #tpu.memory_space<vmem>>
    %dma_start3A_25 = arith.constant 0 : i32
    %dma_start3A_26 = arith.constant 0 : i32
    %dma_start3A_27 = tpu.memref_slice %arg2[%dma_start3A_25, %dma_start3A_26] : memref<10000x128xf32, #tpu.memory_space<hbm>> -> memref<10000x128xf32, #tpu.memory_space<hbm>>
    tpu.enqueue_indirect_dma source(%dma_start3A_27 : memref<10000x128xf32, #tpu.memory_space<hbm>>) target(%dma_start3A_22 : memref<80x128xf32, #tpu.memory_space<vmem>>) offsets(%dma_start3A_24 : memref<80xi32, #tpu.memory_space<vmem>>) semaphore(%arg10 : memref<!tpu.dma_semaphore, #tpu.memory_space<semaphore_mem>>)
    %dma_start3A_28 = arith.constant 1 : i32
    %dma_start3A_29 = arith.constant 0 : i32
    %dma_start3A_30 = arith.constant 0 : i32
    %dma_start3A_31 = tpu.memref_slice %arg9[%dma_start3A_28, %dma_start3A_29, %dma_start3A_30] : memref<3x80x128xf32, #tpu.memory_space<vmem>> -> memref<1x80x128xf32, #tpu.memory_space<vmem>>
    %dma_start3A_32 = tpu.memref_squeeze %dma_start3A_31 : memref<1x80x128xf32, #tpu.memory_space<vmem>> -> memref<80x128xf32, #tpu.memory_space<vmem>>
    %dma_start3A_33 = arith.constant 80 : i32
    %dma_start3A_34 = tpu.memref_slice %arg7[%dma_start3A_33] : memref<10000xi32, #tpu.memory_space<vmem>> -> memref<80xi32, #tpu.memory_space<vmem>>
    %dma_start3A_35 = arith.constant 0 : i32
    %dma_start3A_36 = arith.constant 0 : i32
    %dma_start3A_37 = tpu.memref_slice %arg2[%dma_start3A_35, %dma_start3A_36] : memref<10000x128xf32, #tpu.memory_space<hbm>> -> memref<10000x128xf32, #tpu.memory_space<hbm>>
    tpu.enqueue_indirect_dma source(%dma_start3A_37 : memref<10000x128xf32, #tpu.memory_space<hbm>>) target(%dma_start3A_32 : memref<80x128xf32, #tpu.memory_space<vmem>>) offsets(%dma_start3A_34 : memref<80xi32, #tpu.memory_space<vmem>>) semaphore(%arg10 : memref<!tpu.dma_semaphore, #tpu.memory_space<semaphore_mem>>)
    %dma_wait3A = arith.constant 0 : i32
    %dma_wait3A_38 = tpu.memref_slice %arg13[%mul3A_2, %dma_wait3A] : memref<10000x128xf32, #tpu.memory_space<vmem_shared>> -> memref<625x128xf32, #tpu.memory_space<vmem_shared>>
    tpu.wait_dma2 semaphore(%arg11 : memref<!tpu.dma_semaphore, #tpu.memory_space<semaphore_mem>>) src(%arg5 : memref<625x128xf32, #tpu.memory_space<hbm>>) dst(%dma_wait3A_38 : memref<625x128xf32, #tpu.memory_space<vmem_shared>>)
    %barrier3A = arith.constant 0 : index
    tpu.barrier barrier_id(%barrier3A)
    %scan3A = arith.constant 0 : i32
    %scan3A_39 = arith.constant 0 : i32
    %scan3A_40 = arith.constant 125 : i32
    %scan3A_41 = arith.addi %scan3A_39, %scan3A_40 : i32
    %scan3A_42 = arith.constant 1 : i32
    scf.for %scan3A_59 = %scan3A_39 to %scan3A_41 step %scan3A_42  : i32 {
      %rem3A = arith.constant 3 : i32
      %rem3A_60 = arith.remsi %scan3A_59, %rem3A : i32
      %rem3A_61 = arith.constant 2 : i32
      %rem3A_62 = arith.remsi %scan3A_59, %rem3A_61 : i32
      %ge3A = arith.constant 1 : i32
      %ge3A_63 = arith.cmpi sge, %scan3A_59, %ge3A : i32
      %convert_element_type3A = arith.extui %ge3A_63 : i1 to i32
      %cond3A = arith.constant 0 : i32
      %cond3A_64 = arith.cmpi ne, %convert_element_type3A, %cond3A : i32
      scf.if %cond3A_64 {
        %dma_wait3A_110 = arith.constant 0 : i32
        %dma_wait3A_111 = arith.constant 0 : i32
        %dma_wait3A_112 = tpu.memref_slice %arg9[%rem3A_60, %dma_wait3A_110, %dma_wait3A_111] : memref<3x80x128xf32, #tpu.memory_space<vmem>> -> memref<1x80x128xf32, #tpu.memory_space<vmem>>
        %dma_wait3A_113 = tpu.memref_squeeze %dma_wait3A_112 : memref<1x80x128xf32, #tpu.memory_space<vmem>> -> memref<80x128xf32, #tpu.memory_space<vmem>>
        %dma_wait3A_114 = arith.constant 0 : i32
        %dma_wait3A_115 = tpu.memref_slice %arg8[%rem3A_62, %dma_wait3A_114] : memref<2x80xi32, #tpu.memory_space<vmem>> -> memref<1x80xi32, #tpu.memory_space<vmem>>
        %dma_wait3A_116 = tpu.memref_squeeze %dma_wait3A_115 : memref<1x80xi32, #tpu.memory_space<vmem>> -> memref<80xi32, #tpu.memory_space<vmem>>
        %dma_wait3A_117 = arith.constant 0 : i32
        %dma_wait3A_118 = arith.constant 0 : i32
        %dma_wait3A_119 = tpu.memref_slice %arg13[%dma_wait3A_117, %dma_wait3A_118] : memref<10000x128xf32, #tpu.memory_space<vmem_shared>> -> memref<10000x128xf32, #tpu.memory_space<vmem_shared>>
        tpu.wait_indirect_dma semaphore(%arg11 : memref<!tpu.dma_semaphore, #tpu.memory_space<semaphore_mem>>) src(%dma_wait3A_113 : memref<80x128xf32, #tpu.memory_space<vmem>>) dst(%dma_wait3A_119 : memref<10000x128xf32, #tpu.memory_space<vmem_shared>>)
      } else {
      }
      %add3A_65 = arith.constant 1 : i32
      %add3A_66 = arith.addi %scan3A_59, %add3A_65 : i32
      %lt3A = arith.constant 125 : i32
      %lt3A_67 = arith.cmpi slt, %add3A_66, %lt3A : i32
      %convert_element_type3A_68 = arith.extui %lt3A_67 : i1 to i32
      %cond3A_69 = arith.constant 0 : i32
      %cond3A_70 = arith.cmpi ne, %convert_element_type3A_68, %cond3A_69 : i32
      scf.if %cond3A_70 {
        %add3A_110 = arith.constant 1 : i32
        %add3A_111 = arith.addi %scan3A_59, %add3A_110 : i32
        %sub3A = arith.constant 1 : i32
        %sub3A_112 = arith.subi %sub3A, %rem3A_62 : i32
        %dma_start3A_113 = arith.constant 0 : i32
        %dma_start3A_114 = tpu.memref_slice %arg8[%sub3A_112, %dma_start3A_113] : memref<2x80xi32, #tpu.memory_space<vmem>> -> memref<1x80xi32, #tpu.memory_space<vmem>>
        %dma_start3A_115 = tpu.memref_squeeze %dma_start3A_114 : memref<1x80xi32, #tpu.memory_space<vmem>> -> memref<80xi32, #tpu.memory_space<vmem>>
        %dma_start3A_116 = arith.constant 0 : i32
        %dma_start3A_117 = tpu.memref_slice %arg4[%add3A, %add3A_111, %dma_start3A_116] : memref<32x125x80xi32, #tpu.memory_space<hbm>> -> memref<1x1x80xi32, #tpu.memory_space<hbm>>
        %dma_start3A_118 = tpu.memref_squeeze %dma_start3A_117 : memref<1x1x80xi32, #tpu.memory_space<hbm>> -> memref<80xi32, #tpu.memory_space<hbm>>
        %dma_start3A_119 = arith.constant 0 : i32
        %dma_start3A_120 = tpu.memref_slice %arg8[%sub3A_112, %dma_start3A_119] : memref<2x80xi32, #tpu.memory_space<vmem>> -> memref<1x80xi32, #tpu.memory_space<vmem>>
        %dma_start3A_121 = tpu.memref_squeeze %dma_start3A_120 : memref<1x80xi32, #tpu.memory_space<vmem>> -> memref<80xi32, #tpu.memory_space<vmem>>
        %dma_start3A_122 = arith.constant 0 : i32
        %dma_start3A_123 = tpu.memref_slice %arg4[%add3A, %add3A_111, %dma_start3A_122] : memref<32x125x80xi32, #tpu.memory_space<hbm>> -> memref<1x1x80xi32, #tpu.memory_space<hbm>>
        %dma_start3A_124 = tpu.memref_squeeze %dma_start3A_123 : memref<1x1x80xi32, #tpu.memory_space<hbm>> -> memref<80xi32, #tpu.memory_space<hbm>>
        tpu.enqueue_dma source(%dma_start3A_124 : memref<80xi32, #tpu.memory_space<hbm>>) target(%dma_start3A_121 : memref<80xi32, #tpu.memory_space<vmem>>) target_semaphore(%arg12 : memref<!tpu.dma_semaphore, #tpu.memory_space<semaphore_mem>>)
      } else {
      }
      %add3A_71 = arith.constant 2 : i32
      %add3A_72 = arith.addi %scan3A_59, %add3A_71 : i32
      %lt3A_73 = arith.constant 125 : i32
      %lt3A_74 = arith.cmpi slt, %add3A_72, %lt3A_73 : i32
      %convert_element_type3A_75 = arith.extui %lt3A_74 : i1 to i32
      %cond3A_76 = arith.constant 0 : i32
      %cond3A_77 = arith.cmpi ne, %convert_element_type3A_75, %cond3A_76 : i32
      scf.if %cond3A_77 {
        %add3A_110 = arith.constant 2 : i32
        %add3A_111 = arith.addi %scan3A_59, %add3A_110 : i32
        %mul3A_112 = arith.constant 80 : i32
        %mul3A_113 = arith.muli %add3A_111, %mul3A_112 : i32
        %add3A_114 = arith.constant 2 : i32
        %add3A_115 = arith.addi %scan3A_59, %add3A_114 : i32
        %rem3A_116 = arith.constant 3 : i32
        %rem3A_117 = arith.remsi %add3A_115, %rem3A_116 : i32
        %dma_start3A_118 = arith.constant 0 : i32
        %dma_start3A_119 = arith.constant 0 : i32
        %dma_start3A_120 = tpu.memref_slice %arg9[%rem3A_117, %dma_start3A_118, %dma_start3A_119] : memref<3x80x128xf32, #tpu.memory_space<vmem>> -> memref<1x80x128xf32, #tpu.memory_space<vmem>>
        %dma_start3A_121 = tpu.memref_squeeze %dma_start3A_120 : memref<1x80x128xf32, #tpu.memory_space<vmem>> -> memref<80x128xf32, #tpu.memory_space<vmem>>
        %dma_start3A_122 = tpu.memref_slice %arg7[%mul3A_113] : memref<10000xi32, #tpu.memory_space<vmem>> -> memref<80xi32, #tpu.memory_space<vmem>>
        %dma_start3A_123 = arith.constant 0 : i32
        %dma_start3A_124 = arith.constant 0 : i32
        %dma_start3A_125 = tpu.memref_slice %arg2[%dma_start3A_123, %dma_start3A_124] : memref<10000x128xf32, #tpu.memory_space<hbm>> -> memref<10000x128xf32, #tpu.memory_space<hbm>>
        tpu.enqueue_indirect_dma source(%dma_start3A_125 : memref<10000x128xf32, #tpu.memory_space<hbm>>) target(%dma_start3A_121 : memref<80x128xf32, #tpu.memory_space<vmem>>) offsets(%dma_start3A_122 : memref<80xi32, #tpu.memory_space<vmem>>) semaphore(%arg10 : memref<!tpu.dma_semaphore, #tpu.memory_space<semaphore_mem>>)
      } else {
      }
      %mul3A_78 = arith.constant 80 : i32
      %mul3A_79 = arith.muli %scan3A_59, %mul3A_78 : i32
      %dma_wait3A_80 = arith.constant 0 : i32
      %dma_wait3A_81 = arith.constant 0 : i32
      %dma_wait3A_82 = tpu.memref_slice %arg9[%rem3A_60, %dma_wait3A_80, %dma_wait3A_81] : memref<3x80x128xf32, #tpu.memory_space<vmem>> -> memref<1x80x128xf32, #tpu.memory_space<vmem>>
      %dma_wait3A_83 = tpu.memref_squeeze %dma_wait3A_82 : memref<1x80x128xf32, #tpu.memory_space<vmem>> -> memref<80x128xf32, #tpu.memory_space<vmem>>
      %dma_wait3A_84 = tpu.memref_slice %arg7[%mul3A_79] : memref<10000xi32, #tpu.memory_space<vmem>> -> memref<80xi32, #tpu.memory_space<vmem>>
      %dma_wait3A_85 = arith.constant 0 : i32
      %dma_wait3A_86 = arith.constant 0 : i32
      %dma_wait3A_87 = tpu.memref_slice %arg2[%dma_wait3A_85, %dma_wait3A_86] : memref<10000x128xf32, #tpu.memory_space<hbm>> -> memref<10000x128xf32, #tpu.memory_space<hbm>>
      tpu.wait_indirect_dma semaphore(%arg10 : memref<!tpu.dma_semaphore, #tpu.memory_space<semaphore_mem>>) src(%dma_wait3A_87 : memref<10000x128xf32, #tpu.memory_space<hbm>>) dst(%dma_wait3A_83 : memref<80x128xf32, #tpu.memory_space<vmem>>)
      %dma_wait3A_88 = arith.constant 0 : i32
      %dma_wait3A_89 = tpu.memref_slice %arg8[%rem3A_62, %dma_wait3A_88] : memref<2x80xi32, #tpu.memory_space<vmem>> -> memref<1x80xi32, #tpu.memory_space<vmem>>
      %dma_wait3A_90 = tpu.memref_squeeze %dma_wait3A_89 : memref<1x80xi32, #tpu.memory_space<vmem>> -> memref<80xi32, #tpu.memory_space<vmem>>
      %dma_wait3A_91 = arith.constant 0 : i32
      %dma_wait3A_92 = tpu.memref_slice %arg4[%add3A, %scan3A_59, %dma_wait3A_91] : memref<32x125x80xi32, #tpu.memory_space<hbm>> -> memref<1x1x80xi32, #tpu.memory_space<hbm>>
      %dma_wait3A_93 = tpu.memref_squeeze %dma_wait3A_92 : memref<1x1x80xi32, #tpu.memory_space<hbm>> -> memref<80xi32, #tpu.memory_space<hbm>>
      %dma_wait3A_94 = arith.constant 0 : i32
      %dma_wait3A_95 = tpu.memref_slice %arg8[%rem3A_62, %dma_wait3A_94] : memref<2x80xi32, #tpu.memory_space<vmem>> -> memref<1x80xi32, #tpu.memory_space<vmem>>
      %dma_wait3A_96 = tpu.memref_squeeze %dma_wait3A_95 : memref<1x80xi32, #tpu.memory_space<vmem>> -> memref<80xi32, #tpu.memory_space<vmem>>
      %dma_wait3A_97 = arith.constant 0 : i32
      %dma_wait3A_98 = tpu.memref_slice %arg4[%add3A, %scan3A_59, %dma_wait3A_97] : memref<32x125x80xi32, #tpu.memory_space<hbm>> -> memref<1x1x80xi32, #tpu.memory_space<hbm>>
      %dma_wait3A_99 = tpu.memref_squeeze %dma_wait3A_98 : memref<1x1x80xi32, #tpu.memory_space<hbm>> -> memref<80xi32, #tpu.memory_space<hbm>>
      tpu.wait_dma2 semaphore(%arg12 : memref<!tpu.dma_semaphore, #tpu.memory_space<semaphore_mem>>) src(%dma_wait3A_99 : memref<80xi32, #tpu.memory_space<hbm>>) dst(%dma_wait3A_96 : memref<80xi32, #tpu.memory_space<vmem>>)
      %dma_start3A_100 = arith.constant 0 : i32
      %dma_start3A_101 = arith.constant 0 : i32
      %dma_start3A_102 = tpu.memref_slice %arg9[%rem3A_60, %dma_start3A_100, %dma_start3A_101] : memref<3x80x128xf32, #tpu.memory_space<vmem>> -> memref<1x80x128xf32, #tpu.memory_space<vmem>>
      %dma_start3A_103 = tpu.memref_squeeze %dma_start3A_102 : memref<1x80x128xf32, #tpu.memory_space<vmem>> -> memref<80x128xf32, #tpu.memory_space<vmem>>
      %dma_start3A_104 = arith.constant 0 : i32
      %dma_start3A_105 = tpu.memref_slice %arg8[%rem3A_62, %dma_start3A_104] : memref<2x80xi32, #tpu.memory_space<vmem>> -> memref<1x80xi32, #tpu.memory_space<vmem>>
      %dma_start3A_106 = tpu.memref_squeeze %dma_start3A_105 : memref<1x80xi32, #tpu.memory_space<vmem>> -> memref<80xi32, #tpu.memory_space<vmem>>
      %dma_start3A_107 = arith.constant 0 : i32
      %dma_start3A_108 = arith.constant 0 : i32
      %dma_start3A_109 = tpu.memref_slice %arg13[%dma_start3A_107, %dma_start3A_108] : memref<10000x128xf32, #tpu.memory_space<vmem_shared>> -> memref<10000x128xf32, #tpu.memory_space<vmem_shared>>
      tpu.enqueue_indirect_dma source(%dma_start3A_103 : memref<80x128xf32, #tpu.memory_space<vmem>>) target(%dma_start3A_109 : memref<10000x128xf32, #tpu.memory_space<vmem_shared>>) offsets(%dma_start3A_106 : memref<80xi32, #tpu.memory_space<vmem>>) semaphore(%arg11 : memref<!tpu.dma_semaphore, #tpu.memory_space<semaphore_mem>>) {add = true}
    }
    %scan3A_43 = arith.constant 125 : i32
    %dma_wait3A_44 = arith.constant 0 : i32
    %dma_wait3A_45 = arith.constant 0 : i32
    %dma_wait3A_46 = arith.constant 0 : i32
    %dma_wait3A_47 = arith.constant 0 : i32
    %dma_wait3A_48 = tpu.memref_slice %arg9[%dma_wait3A_44, %dma_wait3A_46, %dma_wait3A_47] : memref<3x80x128xf32, #tpu.memory_space<vmem>> -> memref<1x80x128xf32, #tpu.memory_space<vmem>>
    %dma_wait3A_49 = tpu.memref_squeeze %dma_wait3A_48 : memref<1x80x128xf32, #tpu.memory_space<vmem>> -> memref<80x128xf32, #tpu.memory_space<vmem>>
    %dma_wait3A_50 = arith.constant 0 : i32
    %dma_wait3A_51 = tpu.memref_slice %arg8[%dma_wait3A_45, %dma_wait3A_50] : memref<2x80xi32, #tpu.memory_space<vmem>> -> memref<1x80xi32, #tpu.memory_space<vmem>>
    %dma_wait3A_52 = tpu.memref_squeeze %dma_wait3A_51 : memref<1x80xi32, #tpu.memory_space<vmem>> -> memref<80xi32, #tpu.memory_space<vmem>>
    %dma_wait3A_53 = arith.constant 0 : i32
    %dma_wait3A_54 = arith.constant 0 : i32
    %dma_wait3A_55 = tpu.memref_slice %arg13[%dma_wait3A_53, %dma_wait3A_54] : memref<10000x128xf32, #tpu.memory_space<vmem_shared>> -> memref<10000x128xf32, #tpu.memory_space<vmem_shared>>
    tpu.wait_indirect_dma semaphore(%arg11 : memref<!tpu.dma_semaphore, #tpu.memory_space<semaphore_mem>>) src(%dma_wait3A_49 : memref<80x128xf32, #tpu.memory_space<vmem>>) dst(%dma_wait3A_55 : memref<10000x128xf32, #tpu.memory_space<vmem_shared>>)
    %barrier3A_56 = arith.constant 0 : index
    tpu.barrier barrier_id(%barrier3A_56)
    %mul3A_57 = arith.constant 625 : i32
    %mul3A_58 = arith.muli %arg1, %mul3A_57 : i32
    "tpu.region"() ({
      %run_scoped3A = tpu.sem_alloc : memref<!tpu.dma_semaphore, #tpu.memory_space<semaphore_mem>>
      %dma_start3A_59 = arith.constant 0 : i32
      %dma_start3A_60 = arith.constant 0 : i32
      %dma_start3A_61 = tpu.memref_slice %arg6[%arg0, %arg1, %dma_start3A_59, %dma_start3A_60] : memref<2x16x625x128xf32, #tpu.memory_space<hbm>> -> memref<1x1x625x128xf32, #tpu.memory_space<hbm>>
      %dma_start3A_62 = tpu.memref_squeeze %dma_start3A_61 : memref<1x1x625x128xf32, #tpu.memory_space<hbm>> -> memref<625x128xf32, #tpu.memory_space<hbm>>
      %dma_start3A_63 = arith.constant 0 : i32
      %dma_start3A_64 = tpu.memref_slice %arg13[%mul3A_58, %dma_start3A_63] : memref<10000x128xf32, #tpu.memory_space<vmem_shared>> -> memref<625x128xf32, #tpu.memory_space<vmem_shared>>
      tpu.enqueue_dma source(%dma_start3A_64 : memref<625x128xf32, #tpu.memory_space<vmem_shared>>) target(%dma_start3A_62 : memref<625x128xf32, #tpu.memory_space<hbm>>) target_semaphore(%run_scoped3A : memref<!tpu.dma_semaphore, #tpu.memory_space<semaphore_mem>>)
      %dma_wait3A_65 = arith.constant 0 : i32
      %dma_wait3A_66 = arith.constant 0 : i32
      %dma_wait3A_67 = tpu.memref_slice %arg6[%arg0, %arg1, %dma_wait3A_65, %dma_wait3A_66] : memref<2x16x625x128xf32, #tpu.memory_space<hbm>> -> memref<1x1x625x128xf32, #tpu.memory_space<hbm>>
      %dma_wait3A_68 = tpu.memref_squeeze %dma_wait3A_67 : memref<1x1x625x128xf32, #tpu.memory_space<hbm>> -> memref<625x128xf32, #tpu.memory_space<hbm>>
      %dma_wait3A_69 = arith.constant 0 : i32
      %dma_wait3A_70 = tpu.memref_slice %arg13[%mul3A_58, %dma_wait3A_69] : memref<10000x128xf32, #tpu.memory_space<vmem_shared>> -> memref<625x128xf32, #tpu.memory_space<vmem_shared>>
      tpu.wait_dma2 semaphore(%run_scoped3A : memref<!tpu.dma_semaphore, #tpu.memory_space<semaphore_mem>>) src(%dma_wait3A_70 : memref<625x128xf32, #tpu.memory_space<vmem_shared>>) dst(%dma_wait3A_68 : memref<625x128xf32, #tpu.memory_space<hbm>>)
      tpu.yield
    }) : () -> ()
    return
  }
}

#map = affine_map<(d0, d1) -> (0, 0)>
#map1 = affine_map<(d0, d1) -> (0, 0, 0)>
#map2 = affine_map<(d0, d1) -> (0, 0, 0, 0)>
module attributes {stable_mosaic.version = 14 : i64} {
  func.func @_sc_aggregate(%arg0: i32, %arg1: i32, %arg2: memref<10000x128xf32, #tpu.memory_space<hbm>>, %arg3: memref<32x10000xi32, #tpu.memory_space<hbm>>, %arg4: memref<32x125x80xi32, #tpu.memory_space<hbm>>, %arg5: memref<625x128xf32, #tpu.memory_space<hbm>>, %arg6: memref<2x16x625x128xf32, #tpu.memory_space<hbm>>, %arg7: memref<10000xi32, #tpu.memory_space<vmem>>, %arg8: memref<2x80xi32, #tpu.memory_space<vmem>>, %arg9: memref<3x80x128xf32, #tpu.memory_space<vmem>>, %arg10: memref<!tpu.dma_semaphore, #tpu.memory_space<semaphore_mem>>, %arg11: memref<!tpu.dma_semaphore, #tpu.memory_space<semaphore_mem>>, %arg12: memref<!tpu.dma_semaphore, #tpu.memory_space<semaphore_mem>>, %arg13: memref<10000x128xf32, #tpu.memory_space<vmem_shared>>) attributes {dimension_semantics = [#tpu.dimension_semantics<core_parallel>, #tpu.dimension_semantics<subcore_parallel>], iteration_bounds = array<i64: 2, 16>, scalar_prefetch = 0 : i64, scratch_operands = 7 : i64, tpu.core_type = #tpu.core_type<sc_vector_subcore>, window_params = [{transform_indices = #map}, {transform_indices = #map}, {transform_indices = #map1}, {transform_indices = #map}, {transform_indices = #map2}]} {
    %mul3A = arith.constant 16 : i32
    %mul3A_0 = arith.muli %arg0, %mul3A : i32
    %add3A = arith.addi %mul3A_0, %arg1 : i32
    %mul3A_1 = arith.constant 625 : i32
    %mul3A_2 = arith.muli %arg1, %mul3A_1 : i32
    %dma_start3A = arith.constant 0 : i32
    %dma_start3A_3 = tpu.memref_slice %arg13[%mul3A_2, %dma_start3A] : memref<10000x128xf32, #tpu.memory_space<vmem_shared>> -> memref<625x128xf32, #tpu.memory_space<vmem_shared>>
    tpu.enqueue_dma source(%arg5 : memref<625x128xf32, #tpu.memory_space<hbm>>) target(%dma_start3A_3 : memref<625x128xf32, #tpu.memory_space<vmem_shared>>) target_semaphore(%arg11 : memref<!tpu.dma_semaphore, #tpu.memory_space<semaphore_mem>>)
    "tpu.region"() ({
      %run_scoped3A = tpu.sem_alloc : memref<!tpu.dma_semaphore, #tpu.memory_space<semaphore_mem>>
      %dma_start3A_59 = arith.constant 0 : i32
      %dma_start3A_60 = tpu.memref_slice %arg3[%add3A, %dma_start3A_59] : memref<32x10000xi32, #tpu.memory_space<hbm>> -> memref<1x10000xi32, #tpu.memory_space<hbm>>
      %dma_start3A_61 = tpu.memref_squeeze %dma_start3A_60 : memref<1x10000xi32, #tpu.memory_space<hbm>> -> memref<10000xi32, #tpu.memory_space<hbm>>
      %dma_start3A_62 = arith.constant 0 : i32
      %dma_start3A_63 = tpu.memref_slice %arg3[%add3A, %dma_start3A_62] : memref<32x10000xi32, #tpu.memory_space<hbm>> -> memref<1x10000xi32, #tpu.memory_space<hbm>>
      %dma_start3A_64 = tpu.memref_squeeze %dma_start3A_63 : memref<1x10000xi32, #tpu.memory_space<hbm>> -> memref<10000xi32, #tpu.memory_space<hbm>>
      tpu.enqueue_dma source(%dma_start3A_64 : memref<10000xi32, #tpu.memory_space<hbm>>) target(%arg7 : memref<10000xi32, #tpu.memory_space<vmem>>) target_semaphore(%run_scoped3A : memref<!tpu.dma_semaphore, #tpu.memory_space<semaphore_mem>>)
      %dma_wait3A_65 = arith.constant 0 : i32
      %dma_wait3A_66 = tpu.memref_slice %arg3[%add3A, %dma_wait3A_65] : memref<32x10000xi32, #tpu.memory_space<hbm>> -> memref<1x10000xi32, #tpu.memory_space<hbm>>
      %dma_wait3A_67 = tpu.memref_squeeze %dma_wait3A_66 : memref<1x10000xi32, #tpu.memory_space<hbm>> -> memref<10000xi32, #tpu.memory_space<hbm>>
      %dma_wait3A_68 = arith.constant 0 : i32
      %dma_wait3A_69 = tpu.memref_slice %arg3[%add3A, %dma_wait3A_68] : memref<32x10000xi32, #tpu.memory_space<hbm>> -> memref<1x10000xi32, #tpu.memory_space<hbm>>
      %dma_wait3A_70 = tpu.memref_squeeze %dma_wait3A_69 : memref<1x10000xi32, #tpu.memory_space<hbm>> -> memref<10000xi32, #tpu.memory_space<hbm>>
      tpu.wait_dma2 semaphore(%run_scoped3A : memref<!tpu.dma_semaphore, #tpu.memory_space<semaphore_mem>>) src(%dma_wait3A_70 : memref<10000xi32, #tpu.memory_space<hbm>>) dst(%arg7 : memref<10000xi32, #tpu.memory_space<vmem>>)
      tpu.yield
    }) : () -> ()
    %dma_start3A_4 = arith.constant 0 : i32
    %dma_start3A_5 = arith.constant 0 : i32
    %dma_start3A_6 = arith.constant 0 : i32
    %dma_start3A_7 = tpu.memref_slice %arg8[%dma_start3A_5, %dma_start3A_6] : memref<2x80xi32, #tpu.memory_space<vmem>> -> memref<1x80xi32, #tpu.memory_space<vmem>>
    %dma_start3A_8 = tpu.memref_squeeze %dma_start3A_7 : memref<1x80xi32, #tpu.memory_space<vmem>> -> memref<80xi32, #tpu.memory_space<vmem>>
    %dma_start3A_9 = arith.constant 0 : i32
    %dma_start3A_10 = tpu.memref_slice %arg4[%add3A, %dma_start3A_4, %dma_start3A_9] : memref<32x125x80xi32, #tpu.memory_space<hbm>> -> memref<1x1x80xi32, #tpu.memory_space<hbm>>
    %dma_start3A_11 = tpu.memref_squeeze %dma_start3A_10 : memref<1x1x80xi32, #tpu.memory_space<hbm>> -> memref<80xi32, #tpu.memory_space<hbm>>
    %dma_start3A_12 = arith.constant 0 : i32
    %dma_start3A_13 = tpu.memref_slice %arg8[%dma_start3A_5, %dma_start3A_12] : memref<2x80xi32, #tpu.memory_space<vmem>> -> memref<1x80xi32, #tpu.memory_space<vmem>>
    %dma_start3A_14 = tpu.memref_squeeze %dma_start3A_13 : memref<1x80xi32, #tpu.memory_space<vmem>> -> memref<80xi32, #tpu.memory_space<vmem>>
    %dma_start3A_15 = arith.constant 0 : i32
    %dma_start3A_16 = tpu.memref_slice %arg4[%add3A, %dma_start3A_4, %dma_start3A_15] : memref<32x125x80xi32, #tpu.memory_space<hbm>> -> memref<1x1x80xi32, #tpu.memory_space<hbm>>
    %dma_start3A_17 = tpu.memref_squeeze %dma_start3A_16 : memref<1x1x80xi32, #tpu.memory_space<hbm>> -> memref<80xi32, #tpu.memory_space<hbm>>
    tpu.enqueue_dma source(%dma_start3A_17 : memref<80xi32, #tpu.memory_space<hbm>>) target(%dma_start3A_14 : memref<80xi32, #tpu.memory_space<vmem>>) target_semaphore(%arg12 : memref<!tpu.dma_semaphore, #tpu.memory_space<semaphore_mem>>)
    %dma_start3A_18 = arith.constant 0 : i32
    %dma_start3A_19 = arith.constant 0 : i32
    %dma_start3A_20 = arith.constant 0 : i32
    %dma_start3A_21 = tpu.memref_slice %arg9[%dma_start3A_18, %dma_start3A_19, %dma_start3A_20] : memref<3x80x128xf32, #tpu.memory_space<vmem>> -> memref<1x80x128xf32, #tpu.memory_space<vmem>>
    %dma_start3A_22 = tpu.memref_squeeze %dma_start3A_21 : memref<1x80x128xf32, #tpu.memory_space<vmem>> -> memref<80x128xf32, #tpu.memory_space<vmem>>
    %dma_start3A_23 = arith.constant 0 : i32
    %dma_start3A_24 = tpu.memref_slice %arg7[%dma_start3A_23] : memref<10000xi32, #tpu.memory_space<vmem>> -> memref<80xi32, #tpu.memory_space<vmem>>
    %dma_start3A_25 = arith.constant 0 : i32
    %dma_start3A_26 = arith.constant 0 : i32
    %dma_start3A_27 = tpu.memref_slice %arg2[%dma_start3A_25, %dma_start3A_26] : memref<10000x128xf32, #tpu.memory_space<hbm>> -> memref<10000x128xf32, #tpu.memory_space<hbm>>
    tpu.enqueue_indirect_dma source(%dma_start3A_27 : memref<10000x128xf32, #tpu.memory_space<hbm>>) target(%dma_start3A_22 : memref<80x128xf32, #tpu.memory_space<vmem>>) offsets(%dma_start3A_24 : memref<80xi32, #tpu.memory_space<vmem>>) semaphore(%arg10 : memref<!tpu.dma_semaphore, #tpu.memory_space<semaphore_mem>>)
    %dma_start3A_28 = arith.constant 1 : i32
    %dma_start3A_29 = arith.constant 0 : i32
    %dma_start3A_30 = arith.constant 0 : i32
    %dma_start3A_31 = tpu.memref_slice %arg9[%dma_start3A_28, %dma_start3A_29, %dma_start3A_30] : memref<3x80x128xf32, #tpu.memory_space<vmem>> -> memref<1x80x128xf32, #tpu.memory_space<vmem>>
    %dma_start3A_32 = tpu.memref_squeeze %dma_start3A_31 : memref<1x80x128xf32, #tpu.memory_space<vmem>> -> memref<80x128xf32, #tpu.memory_space<vmem>>
    %dma_start3A_33 = arith.constant 80 : i32
    %dma_start3A_34 = tpu.memref_slice %arg7[%dma_start3A_33] : memref<10000xi32, #tpu.memory_space<vmem>> -> memref<80xi32, #tpu.memory_space<vmem>>
    %dma_start3A_35 = arith.constant 0 : i32
    %dma_start3A_36 = arith.constant 0 : i32
    %dma_start3A_37 = tpu.memref_slice %arg2[%dma_start3A_35, %dma_start3A_36] : memref<10000x128xf32, #tpu.memory_space<hbm>> -> memref<10000x128xf32, #tpu.memory_space<hbm>>
    tpu.enqueue_indirect_dma source(%dma_start3A_37 : memref<10000x128xf32, #tpu.memory_space<hbm>>) target(%dma_start3A_32 : memref<80x128xf32, #tpu.memory_space<vmem>>) offsets(%dma_start3A_34 : memref<80xi32, #tpu.memory_space<vmem>>) semaphore(%arg10 : memref<!tpu.dma_semaphore, #tpu.memory_space<semaphore_mem>>)
    %dma_wait3A = arith.constant 0 : i32
    %dma_wait3A_38 = tpu.memref_slice %arg13[%mul3A_2, %dma_wait3A] : memref<10000x128xf32, #tpu.memory_space<vmem_shared>> -> memref<625x128xf32, #tpu.memory_space<vmem_shared>>
    tpu.wait_dma2 semaphore(%arg11 : memref<!tpu.dma_semaphore, #tpu.memory_space<semaphore_mem>>) src(%arg5 : memref<625x128xf32, #tpu.memory_space<hbm>>) dst(%dma_wait3A_38 : memref<625x128xf32, #tpu.memory_space<vmem_shared>>)
    %barrier3A = arith.constant 0 : index
    tpu.barrier barrier_id(%barrier3A)
    %scan3A = arith.constant 0 : i32
    %scan3A_39 = arith.constant 0 : i32
    %scan3A_40 = arith.constant 125 : i32
    %scan3A_41 = arith.addi %scan3A_39, %scan3A_40 : i32
    %scan3A_42 = arith.constant 1 : i32
    scf.for %scan3A_59 = %scan3A_39 to %scan3A_41 step %scan3A_42  : i32 {
      %rem3A = arith.constant 3 : i32
      %rem3A_60 = arith.remsi %scan3A_59, %rem3A : i32
      %rem3A_61 = arith.constant 2 : i32
      %rem3A_62 = arith.remsi %scan3A_59, %rem3A_61 : i32
      %ge3A = arith.constant 1 : i32
      %ge3A_63 = arith.cmpi sge, %scan3A_59, %ge3A : i32
      %convert_element_type3A = arith.extui %ge3A_63 : i1 to i32
      %cond3A = arith.constant 0 : i32
      %cond3A_64 = arith.cmpi ne, %convert_element_type3A, %cond3A : i32
      scf.if %cond3A_64 {
        %dma_wait3A_110 = arith.constant 0 : i32
        %dma_wait3A_111 = arith.constant 0 : i32
        %dma_wait3A_112 = tpu.memref_slice %arg9[%rem3A_60, %dma_wait3A_110, %dma_wait3A_111] : memref<3x80x128xf32, #tpu.memory_space<vmem>> -> memref<1x80x128xf32, #tpu.memory_space<vmem>>
        %dma_wait3A_113 = tpu.memref_squeeze %dma_wait3A_112 : memref<1x80x128xf32, #tpu.memory_space<vmem>> -> memref<80x128xf32, #tpu.memory_space<vmem>>
        %dma_wait3A_114 = arith.constant 0 : i32
        %dma_wait3A_115 = tpu.memref_slice %arg8[%rem3A_62, %dma_wait3A_114] : memref<2x80xi32, #tpu.memory_space<vmem>> -> memref<1x80xi32, #tpu.memory_space<vmem>>
        %dma_wait3A_116 = tpu.memref_squeeze %dma_wait3A_115 : memref<1x80xi32, #tpu.memory_space<vmem>> -> memref<80xi32, #tpu.memory_space<vmem>>
        %dma_wait3A_117 = arith.constant 0 : i32
        %dma_wait3A_118 = arith.constant 0 : i32
        %dma_wait3A_119 = tpu.memref_slice %arg13[%dma_wait3A_117, %dma_wait3A_118] : memref<10000x128xf32, #tpu.memory_space<vmem_shared>> -> memref<10000x128xf32, #tpu.memory_space<vmem_shared>>
        tpu.wait_indirect_dma semaphore(%arg11 : memref<!tpu.dma_semaphore, #tpu.memory_space<semaphore_mem>>) src(%dma_wait3A_113 : memref<80x128xf32, #tpu.memory_space<vmem>>) dst(%dma_wait3A_119 : memref<10000x128xf32, #tpu.memory_space<vmem_shared>>)
      } else {
      }
      %add3A_65 = arith.constant 1 : i32
      %add3A_66 = arith.addi %scan3A_59, %add3A_65 : i32
      %lt3A = arith.constant 125 : i32
      %lt3A_67 = arith.cmpi slt, %add3A_66, %lt3A : i32
      %convert_element_type3A_68 = arith.extui %lt3A_67 : i1 to i32
      %cond3A_69 = arith.constant 0 : i32
      %cond3A_70 = arith.cmpi ne, %convert_element_type3A_68, %cond3A_69 : i32
      scf.if %cond3A_70 {
        %add3A_110 = arith.constant 1 : i32
        %add3A_111 = arith.addi %scan3A_59, %add3A_110 : i32
        %sub3A = arith.constant 1 : i32
        %sub3A_112 = arith.subi %sub3A, %rem3A_62 : i32
        %dma_start3A_113 = arith.constant 0 : i32
        %dma_start3A_114 = tpu.memref_slice %arg8[%sub3A_112, %dma_start3A_113] : memref<2x80xi32, #tpu.memory_space<vmem>> -> memref<1x80xi32, #tpu.memory_space<vmem>>
        %dma_start3A_115 = tpu.memref_squeeze %dma_start3A_114 : memref<1x80xi32, #tpu.memory_space<vmem>> -> memref<80xi32, #tpu.memory_space<vmem>>
        %dma_start3A_116 = arith.constant 0 : i32
        %dma_start3A_117 = tpu.memref_slice %arg4[%add3A, %add3A_111, %dma_start3A_116] : memref<32x125x80xi32, #tpu.memory_space<hbm>> -> memref<1x1x80xi32, #tpu.memory_space<hbm>>
        %dma_start3A_118 = tpu.memref_squeeze %dma_start3A_117 : memref<1x1x80xi32, #tpu.memory_space<hbm>> -> memref<80xi32, #tpu.memory_space<hbm>>
        %dma_start3A_119 = arith.constant 0 : i32
        %dma_start3A_120 = tpu.memref_slice %arg8[%sub3A_112, %dma_start3A_119] : memref<2x80xi32, #tpu.memory_space<vmem>> -> memref<1x80xi32, #tpu.memory_space<vmem>>
        %dma_start3A_121 = tpu.memref_squeeze %dma_start3A_120 : memref<1x80xi32, #tpu.memory_space<vmem>> -> memref<80xi32, #tpu.memory_space<vmem>>
        %dma_start3A_122 = arith.constant 0 : i32
        %dma_start3A_123 = tpu.memref_slice %arg4[%add3A, %add3A_111, %dma_start3A_122] : memref<32x125x80xi32, #tpu.memory_space<hbm>> -> memref<1x1x80xi32, #tpu.memory_space<hbm>>
        %dma_start3A_124 = tpu.memref_squeeze %dma_start3A_123 : memref<1x1x80xi32, #tpu.memory_space<hbm>> -> memref<80xi32, #tpu.memory_space<hbm>>
        tpu.enqueue_dma source(%dma_start3A_124 : memref<80xi32, #tpu.memory_space<hbm>>) target(%dma_start3A_121 : memref<80xi32, #tpu.memory_space<vmem>>) target_semaphore(%arg12 : memref<!tpu.dma_semaphore, #tpu.memory_space<semaphore_mem>>)
      } else {
      }
      %add3A_71 = arith.constant 2 : i32
      %add3A_72 = arith.addi %scan3A_59, %add3A_71 : i32
      %lt3A_73 = arith.constant 125 : i32
      %lt3A_74 = arith.cmpi slt, %add3A_72, %lt3A_73 : i32
      %convert_element_type3A_75 = arith.extui %lt3A_74 : i1 to i32
      %cond3A_76 = arith.constant 0 : i32
      %cond3A_77 = arith.cmpi ne, %convert_element_type3A_75, %cond3A_76 : i32
      scf.if %cond3A_77 {
        %add3A_110 = arith.constant 2 : i32
        %add3A_111 = arith.addi %scan3A_59, %add3A_110 : i32
        %mul3A_112 = arith.constant 80 : i32
        %mul3A_113 = arith.muli %add3A_111, %mul3A_112 : i32
        %add3A_114 = arith.constant 2 : i32
        %add3A_115 = arith.addi %scan3A_59, %add3A_114 : i32
        %rem3A_116 = arith.constant 3 : i32
        %rem3A_117 = arith.remsi %add3A_115, %rem3A_116 : i32
        %dma_start3A_118 = arith.constant 0 : i32
        %dma_start3A_119 = arith.constant 0 : i32
        %dma_start3A_120 = tpu.memref_slice %arg9[%rem3A_117, %dma_start3A_118, %dma_start3A_119] : memref<3x80x128xf32, #tpu.memory_space<vmem>> -> memref<1x80x128xf32, #tpu.memory_space<vmem>>
        %dma_start3A_121 = tpu.memref_squeeze %dma_start3A_120 : memref<1x80x128xf32, #tpu.memory_space<vmem>> -> memref<80x128xf32, #tpu.memory_space<vmem>>
        %dma_start3A_122 = tpu.memref_slice %arg7[%mul3A_113] : memref<10000xi32, #tpu.memory_space<vmem>> -> memref<80xi32, #tpu.memory_space<vmem>>
        %dma_start3A_123 = arith.constant 0 : i32
        %dma_start3A_124 = arith.constant 0 : i32
        %dma_start3A_125 = tpu.memref_slice %arg2[%dma_start3A_123, %dma_start3A_124] : memref<10000x128xf32, #tpu.memory_space<hbm>> -> memref<10000x128xf32, #tpu.memory_space<hbm>>
        tpu.enqueue_indirect_dma source(%dma_start3A_125 : memref<10000x128xf32, #tpu.memory_space<hbm>>) target(%dma_start3A_121 : memref<80x128xf32, #tpu.memory_space<vmem>>) offsets(%dma_start3A_122 : memref<80xi32, #tpu.memory_space<vmem>>) semaphore(%arg10 : memref<!tpu.dma_semaphore, #tpu.memory_space<semaphore_mem>>)
      } else {
      }
      %mul3A_78 = arith.constant 80 : i32
      %mul3A_79 = arith.muli %scan3A_59, %mul3A_78 : i32
      %dma_wait3A_80 = arith.constant 0 : i32
      %dma_wait3A_81 = arith.constant 0 : i32
      %dma_wait3A_82 = tpu.memref_slice %arg9[%rem3A_60, %dma_wait3A_80, %dma_wait3A_81] : memref<3x80x128xf32, #tpu.memory_space<vmem>> -> memref<1x80x128xf32, #tpu.memory_space<vmem>>
      %dma_wait3A_83 = tpu.memref_squeeze %dma_wait3A_82 : memref<1x80x128xf32, #tpu.memory_space<vmem>> -> memref<80x128xf32, #tpu.memory_space<vmem>>
      %dma_wait3A_84 = tpu.memref_slice %arg7[%mul3A_79] : memref<10000xi32, #tpu.memory_space<vmem>> -> memref<80xi32, #tpu.memory_space<vmem>>
      %dma_wait3A_85 = arith.constant 0 : i32
      %dma_wait3A_86 = arith.constant 0 : i32
      %dma_wait3A_87 = tpu.memref_slice %arg2[%dma_wait3A_85, %dma_wait3A_86] : memref<10000x128xf32, #tpu.memory_space<hbm>> -> memref<10000x128xf32, #tpu.memory_space<hbm>>
      tpu.wait_indirect_dma semaphore(%arg10 : memref<!tpu.dma_semaphore, #tpu.memory_space<semaphore_mem>>) src(%dma_wait3A_87 : memref<10000x128xf32, #tpu.memory_space<hbm>>) dst(%dma_wait3A_83 : memref<80x128xf32, #tpu.memory_space<vmem>>)
      %dma_wait3A_88 = arith.constant 0 : i32
      %dma_wait3A_89 = tpu.memref_slice %arg8[%rem3A_62, %dma_wait3A_88] : memref<2x80xi32, #tpu.memory_space<vmem>> -> memref<1x80xi32, #tpu.memory_space<vmem>>
      %dma_wait3A_90 = tpu.memref_squeeze %dma_wait3A_89 : memref<1x80xi32, #tpu.memory_space<vmem>> -> memref<80xi32, #tpu.memory_space<vmem>>
      %dma_wait3A_91 = arith.constant 0 : i32
      %dma_wait3A_92 = tpu.memref_slice %arg4[%add3A, %scan3A_59, %dma_wait3A_91] : memref<32x125x80xi32, #tpu.memory_space<hbm>> -> memref<1x1x80xi32, #tpu.memory_space<hbm>>
      %dma_wait3A_93 = tpu.memref_squeeze %dma_wait3A_92 : memref<1x1x80xi32, #tpu.memory_space<hbm>> -> memref<80xi32, #tpu.memory_space<hbm>>
      %dma_wait3A_94 = arith.constant 0 : i32
      %dma_wait3A_95 = tpu.memref_slice %arg8[%rem3A_62, %dma_wait3A_94] : memref<2x80xi32, #tpu.memory_space<vmem>> -> memref<1x80xi32, #tpu.memory_space<vmem>>
      %dma_wait3A_96 = tpu.memref_squeeze %dma_wait3A_95 : memref<1x80xi32, #tpu.memory_space<vmem>> -> memref<80xi32, #tpu.memory_space<vmem>>
      %dma_wait3A_97 = arith.constant 0 : i32
      %dma_wait3A_98 = tpu.memref_slice %arg4[%add3A, %scan3A_59, %dma_wait3A_97] : memref<32x125x80xi32, #tpu.memory_space<hbm>> -> memref<1x1x80xi32, #tpu.memory_space<hbm>>
      %dma_wait3A_99 = tpu.memref_squeeze %dma_wait3A_98 : memref<1x1x80xi32, #tpu.memory_space<hbm>> -> memref<80xi32, #tpu.memory_space<hbm>>
      tpu.wait_dma2 semaphore(%arg12 : memref<!tpu.dma_semaphore, #tpu.memory_space<semaphore_mem>>) src(%dma_wait3A_99 : memref<80xi32, #tpu.memory_space<hbm>>) dst(%dma_wait3A_96 : memref<80xi32, #tpu.memory_space<vmem>>)
      %dma_start3A_100 = arith.constant 0 : i32
      %dma_start3A_101 = arith.constant 0 : i32
      %dma_start3A_102 = tpu.memref_slice %arg9[%rem3A_60, %dma_start3A_100, %dma_start3A_101] : memref<3x80x128xf32, #tpu.memory_space<vmem>> -> memref<1x80x128xf32, #tpu.memory_space<vmem>>
      %dma_start3A_103 = tpu.memref_squeeze %dma_start3A_102 : memref<1x80x128xf32, #tpu.memory_space<vmem>> -> memref<80x128xf32, #tpu.memory_space<vmem>>
      %dma_start3A_104 = arith.constant 0 : i32
      %dma_start3A_105 = tpu.memref_slice %arg8[%rem3A_62, %dma_start3A_104] : memref<2x80xi32, #tpu.memory_space<vmem>> -> memref<1x80xi32, #tpu.memory_space<vmem>>
      %dma_start3A_106 = tpu.memref_squeeze %dma_start3A_105 : memref<1x80xi32, #tpu.memory_space<vmem>> -> memref<80xi32, #tpu.memory_space<vmem>>
      %dma_start3A_107 = arith.constant 0 : i32
      %dma_start3A_108 = arith.constant 0 : i32
      %dma_start3A_109 = tpu.memref_slice %arg13[%dma_start3A_107, %dma_start3A_108] : memref<10000x128xf32, #tpu.memory_space<vmem_shared>> -> memref<10000x128xf32, #tpu.memory_space<vmem_shared>>
      tpu.enqueue_indirect_dma source(%dma_start3A_103 : memref<80x128xf32, #tpu.memory_space<vmem>>) target(%dma_start3A_109 : memref<10000x128xf32, #tpu.memory_space<vmem_shared>>) offsets(%dma_start3A_106 : memref<80xi32, #tpu.memory_space<vmem>>) semaphore(%arg11 : memref<!tpu.dma_semaphore, #tpu.memory_space<semaphore_mem>>) {add = true}
    }
    %scan3A_43 = arith.constant 125 : i32
    %dma_wait3A_44 = arith.constant 0 : i32
    %dma_wait3A_45 = arith.constant 0 : i32
    %dma_wait3A_46 = arith.constant 0 : i32
    %dma_wait3A_47 = arith.constant 0 : i32
    %dma_wait3A_48 = tpu.memref_slice %arg9[%dma_wait3A_44, %dma_wait3A_46, %dma_wait3A_47] : memref<3x80x128xf32, #tpu.memory_space<vmem>> -> memref<1x80x128xf32, #tpu.memory_space<vmem>>
    %dma_wait3A_49 = tpu.memref_squeeze %dma_wait3A_48 : memref<1x80x128xf32, #tpu.memory_space<vmem>> -> memref<80x128xf32, #tpu.memory_space<vmem>>
    %dma_wait3A_50 = arith.constant 0 : i32
    %dma_wait3A_51 = tpu.memref_slice %arg8[%dma_wait3A_45, %dma_wait3A_50] : memref<2x80xi32, #tpu.memory_space<vmem>> -> memref<1x80xi32, #tpu.memory_space<vmem>>
    %dma_wait3A_52 = tpu.memref_squeeze %dma_wait3A_51 : memref<1x80xi32, #tpu.memory_space<vmem>> -> memref<80xi32, #tpu.memory_space<vmem>>
    %dma_wait3A_53 = arith.constant 0 : i32
    %dma_wait3A_54 = arith.constant 0 : i32
    %dma_wait3A_55 = tpu.memref_slice %arg13[%dma_wait3A_53, %dma_wait3A_54] : memref<10000x128xf32, #tpu.memory_space<vmem_shared>> -> memref<10000x128xf32, #tpu.memory_space<vmem_shared>>
    tpu.wait_indirect_dma semaphore(%arg11 : memref<!tpu.dma_semaphore, #tpu.memory_space<semaphore_mem>>) src(%dma_wait3A_49 : memref<80x128xf32, #tpu.memory_space<vmem>>) dst(%dma_wait3A_55 : memref<10000x128xf32, #tpu.memory_space<vmem_shared>>)
    %barrier3A_56 = arith.constant 0 : index
    tpu.barrier barrier_id(%barrier3A_56)
    %mul3A_57 = arith.constant 625 : i32
    %mul3A_58 = arith.muli %arg1, %mul3A_57 : i32
    "tpu.region"() ({
      %run_scoped3A = tpu.sem_alloc : memref<!tpu.dma_semaphore, #tpu.memory_space<semaphore_mem>>
      %dma_start3A_59 = arith.constant 0 : i32
      %dma_start3A_60 = arith.constant 0 : i32
      %dma_start3A_61 = tpu.memref_slice %arg6[%arg0, %arg1, %dma_start3A_59, %dma_start3A_60] : memref<2x16x625x128xf32, #tpu.memory_space<hbm>> -> memref<1x1x625x128xf32, #tpu.memory_space<hbm>>
      %dma_start3A_62 = tpu.memref_squeeze %dma_start3A_61 : memref<1x1x625x128xf32, #tpu.memory_space<hbm>> -> memref<625x128xf32, #tpu.memory_space<hbm>>
      %dma_start3A_63 = arith.constant 0 : i32
      %dma_start3A_64 = tpu.memref_slice %arg13[%mul3A_58, %dma_start3A_63] : memref<10000x128xf32, #tpu.memory_space<vmem_shared>> -> memref<625x128xf32, #tpu.memory_space<vmem_shared>>
      tpu.enqueue_dma source(%dma_start3A_64 : memref<625x128xf32, #tpu.memory_space<vmem_shared>>) target(%dma_start3A_62 : memref<625x128xf32, #tpu.memory_space<hbm>>) target_semaphore(%run_scoped3A : memref<!tpu.dma_semaphore, #tpu.memory_space<semaphore_mem>>)
      %dma_wait3A_65 = arith.constant 0 : i32
      %dma_wait3A_66 = arith.constant 0 : i32
      %dma_wait3A_67 = tpu.memref_slice %arg6[%arg0, %arg1, %dma_wait3A_65, %dma_wait3A_66] : memref<2x16x625x128xf32, #tpu.memory_space<hbm>> -> memref<1x1x625x128xf32, #tpu.memory_space<hbm>>
      %dma_wait3A_68 = tpu.memref_squeeze %dma_wait3A_67 : memref<1x1x625x128xf32, #tpu.memory_space<hbm>> -> memref<625x128xf32, #tpu.memory_space<hbm>>
      %dma_wait3A_69 = arith.constant 0 : i32
      %dma_wait3A_70 = tpu.memref_slice %arg13[%mul3A_58, %dma_wait3A_69] : memref<10000x128xf32, #tpu.memory_space<vmem_shared>> -> memref<625x128xf32, #tpu.memory_space<vmem_shared>>
      tpu.wait_dma2 semaphore(%run_scoped3A : memref<!tpu.dma_semaphore, #tpu.memory_space<semaphore_mem>>) src(%dma_wait3A_70 : memref<625x128xf32, #tpu.memory_space<vmem_shared>>) dst(%dma_wait3A_68 : memref<625x128xf32, #tpu.memory_space<hbm>>)
      tpu.yield
    }) : () -> ()
    return
  }
}

#map = affine_map<(d0, d1) -> (0, 0)>
#map1 = affine_map<(d0, d1) -> (0, 0, 0)>
#map2 = affine_map<(d0, d1) -> (0, 0, 0, 0)>
module attributes {stable_mosaic.version = 14 : i64} {
  func.func @_sc_aggregate(%arg0: i32, %arg1: i32, %arg2: memref<10000x128xf32, #tpu.memory_space<hbm>>, %arg3: memref<32x10000xi32, #tpu.memory_space<hbm>>, %arg4: memref<32x125x80xi32, #tpu.memory_space<hbm>>, %arg5: memref<625x128xf32, #tpu.memory_space<hbm>>, %arg6: memref<2x16x625x128xf32, #tpu.memory_space<hbm>>, %arg7: memref<10000xi32, #tpu.memory_space<vmem>>, %arg8: memref<2x80xi32, #tpu.memory_space<vmem>>, %arg9: memref<3x80x128xf32, #tpu.memory_space<vmem>>, %arg10: memref<!tpu.dma_semaphore, #tpu.memory_space<semaphore_mem>>, %arg11: memref<!tpu.dma_semaphore, #tpu.memory_space<semaphore_mem>>, %arg12: memref<!tpu.dma_semaphore, #tpu.memory_space<semaphore_mem>>, %arg13: memref<10000x128xf32, #tpu.memory_space<vmem_shared>>) attributes {dimension_semantics = [#tpu.dimension_semantics<core_parallel>, #tpu.dimension_semantics<subcore_parallel>], iteration_bounds = array<i64: 2, 16>, scalar_prefetch = 0 : i64, scratch_operands = 7 : i64, tpu.core_type = #tpu.core_type<sc_vector_subcore>, window_params = [{transform_indices = #map}, {transform_indices = #map}, {transform_indices = #map1}, {transform_indices = #map}, {transform_indices = #map2}]} {
    %mul3A = arith.constant 16 : i32
    %mul3A_0 = arith.muli %arg0, %mul3A : i32
    %add3A = arith.addi %mul3A_0, %arg1 : i32
    %mul3A_1 = arith.constant 625 : i32
    %mul3A_2 = arith.muli %arg1, %mul3A_1 : i32
    %dma_start3A = arith.constant 0 : i32
    %dma_start3A_3 = tpu.memref_slice %arg13[%mul3A_2, %dma_start3A] : memref<10000x128xf32, #tpu.memory_space<vmem_shared>> -> memref<625x128xf32, #tpu.memory_space<vmem_shared>>
    tpu.enqueue_dma source(%arg5 : memref<625x128xf32, #tpu.memory_space<hbm>>) target(%dma_start3A_3 : memref<625x128xf32, #tpu.memory_space<vmem_shared>>) target_semaphore(%arg11 : memref<!tpu.dma_semaphore, #tpu.memory_space<semaphore_mem>>)
    "tpu.region"() ({
      %run_scoped3A = tpu.sem_alloc : memref<!tpu.dma_semaphore, #tpu.memory_space<semaphore_mem>>
      %dma_start3A_59 = arith.constant 0 : i32
      %dma_start3A_60 = tpu.memref_slice %arg3[%add3A, %dma_start3A_59] : memref<32x10000xi32, #tpu.memory_space<hbm>> -> memref<1x10000xi32, #tpu.memory_space<hbm>>
      %dma_start3A_61 = tpu.memref_squeeze %dma_start3A_60 : memref<1x10000xi32, #tpu.memory_space<hbm>> -> memref<10000xi32, #tpu.memory_space<hbm>>
      %dma_start3A_62 = arith.constant 0 : i32
      %dma_start3A_63 = tpu.memref_slice %arg3[%add3A, %dma_start3A_62] : memref<32x10000xi32, #tpu.memory_space<hbm>> -> memref<1x10000xi32, #tpu.memory_space<hbm>>
      %dma_start3A_64 = tpu.memref_squeeze %dma_start3A_63 : memref<1x10000xi32, #tpu.memory_space<hbm>> -> memref<10000xi32, #tpu.memory_space<hbm>>
      tpu.enqueue_dma source(%dma_start3A_64 : memref<10000xi32, #tpu.memory_space<hbm>>) target(%arg7 : memref<10000xi32, #tpu.memory_space<vmem>>) target_semaphore(%run_scoped3A : memref<!tpu.dma_semaphore, #tpu.memory_space<semaphore_mem>>)
      %dma_wait3A_65 = arith.constant 0 : i32
      %dma_wait3A_66 = tpu.memref_slice %arg3[%add3A, %dma_wait3A_65] : memref<32x10000xi32, #tpu.memory_space<hbm>> -> memref<1x10000xi32, #tpu.memory_space<hbm>>
      %dma_wait3A_67 = tpu.memref_squeeze %dma_wait3A_66 : memref<1x10000xi32, #tpu.memory_space<hbm>> -> memref<10000xi32, #tpu.memory_space<hbm>>
      %dma_wait3A_68 = arith.constant 0 : i32
      %dma_wait3A_69 = tpu.memref_slice %arg3[%add3A, %dma_wait3A_68] : memref<32x10000xi32, #tpu.memory_space<hbm>> -> memref<1x10000xi32, #tpu.memory_space<hbm>>
      %dma_wait3A_70 = tpu.memref_squeeze %dma_wait3A_69 : memref<1x10000xi32, #tpu.memory_space<hbm>> -> memref<10000xi32, #tpu.memory_space<hbm>>
      tpu.wait_dma2 semaphore(%run_scoped3A : memref<!tpu.dma_semaphore, #tpu.memory_space<semaphore_mem>>) src(%dma_wait3A_70 : memref<10000xi32, #tpu.memory_space<hbm>>) dst(%arg7 : memref<10000xi32, #tpu.memory_space<vmem>>)
      tpu.yield
    }) : () -> ()
    %dma_start3A_4 = arith.constant 0 : i32
    %dma_start3A_5 = arith.constant 0 : i32
    %dma_start3A_6 = arith.constant 0 : i32
    %dma_start3A_7 = tpu.memref_slice %arg8[%dma_start3A_5, %dma_start3A_6] : memref<2x80xi32, #tpu.memory_space<vmem>> -> memref<1x80xi32, #tpu.memory_space<vmem>>
    %dma_start3A_8 = tpu.memref_squeeze %dma_start3A_7 : memref<1x80xi32, #tpu.memory_space<vmem>> -> memref<80xi32, #tpu.memory_space<vmem>>
    %dma_start3A_9 = arith.constant 0 : i32
    %dma_start3A_10 = tpu.memref_slice %arg4[%add3A, %dma_start3A_4, %dma_start3A_9] : memref<32x125x80xi32, #tpu.memory_space<hbm>> -> memref<1x1x80xi32, #tpu.memory_space<hbm>>
    %dma_start3A_11 = tpu.memref_squeeze %dma_start3A_10 : memref<1x1x80xi32, #tpu.memory_space<hbm>> -> memref<80xi32, #tpu.memory_space<hbm>>
    %dma_start3A_12 = arith.constant 0 : i32
    %dma_start3A_13 = tpu.memref_slice %arg8[%dma_start3A_5, %dma_start3A_12] : memref<2x80xi32, #tpu.memory_space<vmem>> -> memref<1x80xi32, #tpu.memory_space<vmem>>
    %dma_start3A_14 = tpu.memref_squeeze %dma_start3A_13 : memref<1x80xi32, #tpu.memory_space<vmem>> -> memref<80xi32, #tpu.memory_space<vmem>>
    %dma_start3A_15 = arith.constant 0 : i32
    %dma_start3A_16 = tpu.memref_slice %arg4[%add3A, %dma_start3A_4, %dma_start3A_15] : memref<32x125x80xi32, #tpu.memory_space<hbm>> -> memref<1x1x80xi32, #tpu.memory_space<hbm>>
    %dma_start3A_17 = tpu.memref_squeeze %dma_start3A_16 : memref<1x1x80xi32, #tpu.memory_space<hbm>> -> memref<80xi32, #tpu.memory_space<hbm>>
    tpu.enqueue_dma source(%dma_start3A_17 : memref<80xi32, #tpu.memory_space<hbm>>) target(%dma_start3A_14 : memref<80xi32, #tpu.memory_space<vmem>>) target_semaphore(%arg12 : memref<!tpu.dma_semaphore, #tpu.memory_space<semaphore_mem>>)
    %dma_start3A_18 = arith.constant 0 : i32
    %dma_start3A_19 = arith.constant 0 : i32
    %dma_start3A_20 = arith.constant 0 : i32
    %dma_start3A_21 = tpu.memref_slice %arg9[%dma_start3A_18, %dma_start3A_19, %dma_start3A_20] : memref<3x80x128xf32, #tpu.memory_space<vmem>> -> memref<1x80x128xf32, #tpu.memory_space<vmem>>
    %dma_start3A_22 = tpu.memref_squeeze %dma_start3A_21 : memref<1x80x128xf32, #tpu.memory_space<vmem>> -> memref<80x128xf32, #tpu.memory_space<vmem>>
    %dma_start3A_23 = arith.constant 0 : i32
    %dma_start3A_24 = tpu.memref_slice %arg7[%dma_start3A_23] : memref<10000xi32, #tpu.memory_space<vmem>> -> memref<80xi32, #tpu.memory_space<vmem>>
    %dma_start3A_25 = arith.constant 0 : i32
    %dma_start3A_26 = arith.constant 0 : i32
    %dma_start3A_27 = tpu.memref_slice %arg2[%dma_start3A_25, %dma_start3A_26] : memref<10000x128xf32, #tpu.memory_space<hbm>> -> memref<10000x128xf32, #tpu.memory_space<hbm>>
    tpu.enqueue_indirect_dma source(%dma_start3A_27 : memref<10000x128xf32, #tpu.memory_space<hbm>>) target(%dma_start3A_22 : memref<80x128xf32, #tpu.memory_space<vmem>>) offsets(%dma_start3A_24 : memref<80xi32, #tpu.memory_space<vmem>>) semaphore(%arg10 : memref<!tpu.dma_semaphore, #tpu.memory_space<semaphore_mem>>)
    %dma_start3A_28 = arith.constant 1 : i32
    %dma_start3A_29 = arith.constant 0 : i32
    %dma_start3A_30 = arith.constant 0 : i32
    %dma_start3A_31 = tpu.memref_slice %arg9[%dma_start3A_28, %dma_start3A_29, %dma_start3A_30] : memref<3x80x128xf32, #tpu.memory_space<vmem>> -> memref<1x80x128xf32, #tpu.memory_space<vmem>>
    %dma_start3A_32 = tpu.memref_squeeze %dma_start3A_31 : memref<1x80x128xf32, #tpu.memory_space<vmem>> -> memref<80x128xf32, #tpu.memory_space<vmem>>
    %dma_start3A_33 = arith.constant 80 : i32
    %dma_start3A_34 = tpu.memref_slice %arg7[%dma_start3A_33] : memref<10000xi32, #tpu.memory_space<vmem>> -> memref<80xi32, #tpu.memory_space<vmem>>
    %dma_start3A_35 = arith.constant 0 : i32
    %dma_start3A_36 = arith.constant 0 : i32
    %dma_start3A_37 = tpu.memref_slice %arg2[%dma_start3A_35, %dma_start3A_36] : memref<10000x128xf32, #tpu.memory_space<hbm>> -> memref<10000x128xf32, #tpu.memory_space<hbm>>
    tpu.enqueue_indirect_dma source(%dma_start3A_37 : memref<10000x128xf32, #tpu.memory_space<hbm>>) target(%dma_start3A_32 : memref<80x128xf32, #tpu.memory_space<vmem>>) offsets(%dma_start3A_34 : memref<80xi32, #tpu.memory_space<vmem>>) semaphore(%arg10 : memref<!tpu.dma_semaphore, #tpu.memory_space<semaphore_mem>>)
    %dma_wait3A = arith.constant 0 : i32
    %dma_wait3A_38 = tpu.memref_slice %arg13[%mul3A_2, %dma_wait3A] : memref<10000x128xf32, #tpu.memory_space<vmem_shared>> -> memref<625x128xf32, #tpu.memory_space<vmem_shared>>
    tpu.wait_dma2 semaphore(%arg11 : memref<!tpu.dma_semaphore, #tpu.memory_space<semaphore_mem>>) src(%arg5 : memref<625x128xf32, #tpu.memory_space<hbm>>) dst(%dma_wait3A_38 : memref<625x128xf32, #tpu.memory_space<vmem_shared>>)
    %barrier3A = arith.constant 0 : index
    tpu.barrier barrier_id(%barrier3A)
    %scan3A = arith.constant 0 : i32
    %scan3A_39 = arith.constant 0 : i32
    %scan3A_40 = arith.constant 125 : i32
    %scan3A_41 = arith.addi %scan3A_39, %scan3A_40 : i32
    %scan3A_42 = arith.constant 1 : i32
    scf.for %scan3A_59 = %scan3A_39 to %scan3A_41 step %scan3A_42  : i32 {
      %rem3A = arith.constant 3 : i32
      %rem3A_60 = arith.remsi %scan3A_59, %rem3A : i32
      %rem3A_61 = arith.constant 2 : i32
      %rem3A_62 = arith.remsi %scan3A_59, %rem3A_61 : i32
      %ge3A = arith.constant 1 : i32
      %ge3A_63 = arith.cmpi sge, %scan3A_59, %ge3A : i32
      %convert_element_type3A = arith.extui %ge3A_63 : i1 to i32
      %cond3A = arith.constant 0 : i32
      %cond3A_64 = arith.cmpi ne, %convert_element_type3A, %cond3A : i32
      scf.if %cond3A_64 {
        %dma_wait3A_110 = arith.constant 0 : i32
        %dma_wait3A_111 = arith.constant 0 : i32
        %dma_wait3A_112 = tpu.memref_slice %arg9[%rem3A_60, %dma_wait3A_110, %dma_wait3A_111] : memref<3x80x128xf32, #tpu.memory_space<vmem>> -> memref<1x80x128xf32, #tpu.memory_space<vmem>>
        %dma_wait3A_113 = tpu.memref_squeeze %dma_wait3A_112 : memref<1x80x128xf32, #tpu.memory_space<vmem>> -> memref<80x128xf32, #tpu.memory_space<vmem>>
        %dma_wait3A_114 = arith.constant 0 : i32
        %dma_wait3A_115 = tpu.memref_slice %arg8[%rem3A_62, %dma_wait3A_114] : memref<2x80xi32, #tpu.memory_space<vmem>> -> memref<1x80xi32, #tpu.memory_space<vmem>>
        %dma_wait3A_116 = tpu.memref_squeeze %dma_wait3A_115 : memref<1x80xi32, #tpu.memory_space<vmem>> -> memref<80xi32, #tpu.memory_space<vmem>>
        %dma_wait3A_117 = arith.constant 0 : i32
        %dma_wait3A_118 = arith.constant 0 : i32
        %dma_wait3A_119 = tpu.memref_slice %arg13[%dma_wait3A_117, %dma_wait3A_118] : memref<10000x128xf32, #tpu.memory_space<vmem_shared>> -> memref<10000x128xf32, #tpu.memory_space<vmem_shared>>
        tpu.wait_indirect_dma semaphore(%arg11 : memref<!tpu.dma_semaphore, #tpu.memory_space<semaphore_mem>>) src(%dma_wait3A_113 : memref<80x128xf32, #tpu.memory_space<vmem>>) dst(%dma_wait3A_119 : memref<10000x128xf32, #tpu.memory_space<vmem_shared>>)
      } else {
      }
      %add3A_65 = arith.constant 1 : i32
      %add3A_66 = arith.addi %scan3A_59, %add3A_65 : i32
      %lt3A = arith.constant 125 : i32
      %lt3A_67 = arith.cmpi slt, %add3A_66, %lt3A : i32
      %convert_element_type3A_68 = arith.extui %lt3A_67 : i1 to i32
      %cond3A_69 = arith.constant 0 : i32
      %cond3A_70 = arith.cmpi ne, %convert_element_type3A_68, %cond3A_69 : i32
      scf.if %cond3A_70 {
        %add3A_110 = arith.constant 1 : i32
        %add3A_111 = arith.addi %scan3A_59, %add3A_110 : i32
        %sub3A = arith.constant 1 : i32
        %sub3A_112 = arith.subi %sub3A, %rem3A_62 : i32
        %dma_start3A_113 = arith.constant 0 : i32
        %dma_start3A_114 = tpu.memref_slice %arg8[%sub3A_112, %dma_start3A_113] : memref<2x80xi32, #tpu.memory_space<vmem>> -> memref<1x80xi32, #tpu.memory_space<vmem>>
        %dma_start3A_115 = tpu.memref_squeeze %dma_start3A_114 : memref<1x80xi32, #tpu.memory_space<vmem>> -> memref<80xi32, #tpu.memory_space<vmem>>
        %dma_start3A_116 = arith.constant 0 : i32
        %dma_start3A_117 = tpu.memref_slice %arg4[%add3A, %add3A_111, %dma_start3A_116] : memref<32x125x80xi32, #tpu.memory_space<hbm>> -> memref<1x1x80xi32, #tpu.memory_space<hbm>>
        %dma_start3A_118 = tpu.memref_squeeze %dma_start3A_117 : memref<1x1x80xi32, #tpu.memory_space<hbm>> -> memref<80xi32, #tpu.memory_space<hbm>>
        %dma_start3A_119 = arith.constant 0 : i32
        %dma_start3A_120 = tpu.memref_slice %arg8[%sub3A_112, %dma_start3A_119] : memref<2x80xi32, #tpu.memory_space<vmem>> -> memref<1x80xi32, #tpu.memory_space<vmem>>
        %dma_start3A_121 = tpu.memref_squeeze %dma_start3A_120 : memref<1x80xi32, #tpu.memory_space<vmem>> -> memref<80xi32, #tpu.memory_space<vmem>>
        %dma_start3A_122 = arith.constant 0 : i32
        %dma_start3A_123 = tpu.memref_slice %arg4[%add3A, %add3A_111, %dma_start3A_122] : memref<32x125x80xi32, #tpu.memory_space<hbm>> -> memref<1x1x80xi32, #tpu.memory_space<hbm>>
        %dma_start3A_124 = tpu.memref_squeeze %dma_start3A_123 : memref<1x1x80xi32, #tpu.memory_space<hbm>> -> memref<80xi32, #tpu.memory_space<hbm>>
        tpu.enqueue_dma source(%dma_start3A_124 : memref<80xi32, #tpu.memory_space<hbm>>) target(%dma_start3A_121 : memref<80xi32, #tpu.memory_space<vmem>>) target_semaphore(%arg12 : memref<!tpu.dma_semaphore, #tpu.memory_space<semaphore_mem>>)
      } else {
      }
      %add3A_71 = arith.constant 2 : i32
      %add3A_72 = arith.addi %scan3A_59, %add3A_71 : i32
      %lt3A_73 = arith.constant 125 : i32
      %lt3A_74 = arith.cmpi slt, %add3A_72, %lt3A_73 : i32
      %convert_element_type3A_75 = arith.extui %lt3A_74 : i1 to i32
      %cond3A_76 = arith.constant 0 : i32
      %cond3A_77 = arith.cmpi ne, %convert_element_type3A_75, %cond3A_76 : i32
      scf.if %cond3A_77 {
        %add3A_110 = arith.constant 2 : i32
        %add3A_111 = arith.addi %scan3A_59, %add3A_110 : i32
        %mul3A_112 = arith.constant 80 : i32
        %mul3A_113 = arith.muli %add3A_111, %mul3A_112 : i32
        %add3A_114 = arith.constant 2 : i32
        %add3A_115 = arith.addi %scan3A_59, %add3A_114 : i32
        %rem3A_116 = arith.constant 3 : i32
        %rem3A_117 = arith.remsi %add3A_115, %rem3A_116 : i32
        %dma_start3A_118 = arith.constant 0 : i32
        %dma_start3A_119 = arith.constant 0 : i32
        %dma_start3A_120 = tpu.memref_slice %arg9[%rem3A_117, %dma_start3A_118, %dma_start3A_119] : memref<3x80x128xf32, #tpu.memory_space<vmem>> -> memref<1x80x128xf32, #tpu.memory_space<vmem>>
        %dma_start3A_121 = tpu.memref_squeeze %dma_start3A_120 : memref<1x80x128xf32, #tpu.memory_space<vmem>> -> memref<80x128xf32, #tpu.memory_space<vmem>>
        %dma_start3A_122 = tpu.memref_slice %arg7[%mul3A_113] : memref<10000xi32, #tpu.memory_space<vmem>> -> memref<80xi32, #tpu.memory_space<vmem>>
        %dma_start3A_123 = arith.constant 0 : i32
        %dma_start3A_124 = arith.constant 0 : i32
        %dma_start3A_125 = tpu.memref_slice %arg2[%dma_start3A_123, %dma_start3A_124] : memref<10000x128xf32, #tpu.memory_space<hbm>> -> memref<10000x128xf32, #tpu.memory_space<hbm>>
        tpu.enqueue_indirect_dma source(%dma_start3A_125 : memref<10000x128xf32, #tpu.memory_space<hbm>>) target(%dma_start3A_121 : memref<80x128xf32, #tpu.memory_space<vmem>>) offsets(%dma_start3A_122 : memref<80xi32, #tpu.memory_space<vmem>>) semaphore(%arg10 : memref<!tpu.dma_semaphore, #tpu.memory_space<semaphore_mem>>)
      } else {
      }
      %mul3A_78 = arith.constant 80 : i32
      %mul3A_79 = arith.muli %scan3A_59, %mul3A_78 : i32
      %dma_wait3A_80 = arith.constant 0 : i32
      %dma_wait3A_81 = arith.constant 0 : i32
      %dma_wait3A_82 = tpu.memref_slice %arg9[%rem3A_60, %dma_wait3A_80, %dma_wait3A_81] : memref<3x80x128xf32, #tpu.memory_space<vmem>> -> memref<1x80x128xf32, #tpu.memory_space<vmem>>
      %dma_wait3A_83 = tpu.memref_squeeze %dma_wait3A_82 : memref<1x80x128xf32, #tpu.memory_space<vmem>> -> memref<80x128xf32, #tpu.memory_space<vmem>>
      %dma_wait3A_84 = tpu.memref_slice %arg7[%mul3A_79] : memref<10000xi32, #tpu.memory_space<vmem>> -> memref<80xi32, #tpu.memory_space<vmem>>
      %dma_wait3A_85 = arith.constant 0 : i32
      %dma_wait3A_86 = arith.constant 0 : i32
      %dma_wait3A_87 = tpu.memref_slice %arg2[%dma_wait3A_85, %dma_wait3A_86] : memref<10000x128xf32, #tpu.memory_space<hbm>> -> memref<10000x128xf32, #tpu.memory_space<hbm>>
      tpu.wait_indirect_dma semaphore(%arg10 : memref<!tpu.dma_semaphore, #tpu.memory_space<semaphore_mem>>) src(%dma_wait3A_87 : memref<10000x128xf32, #tpu.memory_space<hbm>>) dst(%dma_wait3A_83 : memref<80x128xf32, #tpu.memory_space<vmem>>)
      %dma_wait3A_88 = arith.constant 0 : i32
      %dma_wait3A_89 = tpu.memref_slice %arg8[%rem3A_62, %dma_wait3A_88] : memref<2x80xi32, #tpu.memory_space<vmem>> -> memref<1x80xi32, #tpu.memory_space<vmem>>
      %dma_wait3A_90 = tpu.memref_squeeze %dma_wait3A_89 : memref<1x80xi32, #tpu.memory_space<vmem>> -> memref<80xi32, #tpu.memory_space<vmem>>
      %dma_wait3A_91 = arith.constant 0 : i32
      %dma_wait3A_92 = tpu.memref_slice %arg4[%add3A, %scan3A_59, %dma_wait3A_91] : memref<32x125x80xi32, #tpu.memory_space<hbm>> -> memref<1x1x80xi32, #tpu.memory_space<hbm>>
      %dma_wait3A_93 = tpu.memref_squeeze %dma_wait3A_92 : memref<1x1x80xi32, #tpu.memory_space<hbm>> -> memref<80xi32, #tpu.memory_space<hbm>>
      %dma_wait3A_94 = arith.constant 0 : i32
      %dma_wait3A_95 = tpu.memref_slice %arg8[%rem3A_62, %dma_wait3A_94] : memref<2x80xi32, #tpu.memory_space<vmem>> -> memref<1x80xi32, #tpu.memory_space<vmem>>
      %dma_wait3A_96 = tpu.memref_squeeze %dma_wait3A_95 : memref<1x80xi32, #tpu.memory_space<vmem>> -> memref<80xi32, #tpu.memory_space<vmem>>
      %dma_wait3A_97 = arith.constant 0 : i32
      %dma_wait3A_98 = tpu.memref_slice %arg4[%add3A, %scan3A_59, %dma_wait3A_97] : memref<32x125x80xi32, #tpu.memory_space<hbm>> -> memref<1x1x80xi32, #tpu.memory_space<hbm>>
      %dma_wait3A_99 = tpu.memref_squeeze %dma_wait3A_98 : memref<1x1x80xi32, #tpu.memory_space<hbm>> -> memref<80xi32, #tpu.memory_space<hbm>>
      tpu.wait_dma2 semaphore(%arg12 : memref<!tpu.dma_semaphore, #tpu.memory_space<semaphore_mem>>) src(%dma_wait3A_99 : memref<80xi32, #tpu.memory_space<hbm>>) dst(%dma_wait3A_96 : memref<80xi32, #tpu.memory_space<vmem>>)
      %dma_start3A_100 = arith.constant 0 : i32
      %dma_start3A_101 = arith.constant 0 : i32
      %dma_start3A_102 = tpu.memref_slice %arg9[%rem3A_60, %dma_start3A_100, %dma_start3A_101] : memref<3x80x128xf32, #tpu.memory_space<vmem>> -> memref<1x80x128xf32, #tpu.memory_space<vmem>>
      %dma_start3A_103 = tpu.memref_squeeze %dma_start3A_102 : memref<1x80x128xf32, #tpu.memory_space<vmem>> -> memref<80x128xf32, #tpu.memory_space<vmem>>
      %dma_start3A_104 = arith.constant 0 : i32
      %dma_start3A_105 = tpu.memref_slice %arg8[%rem3A_62, %dma_start3A_104] : memref<2x80xi32, #tpu.memory_space<vmem>> -> memref<1x80xi32, #tpu.memory_space<vmem>>
      %dma_start3A_106 = tpu.memref_squeeze %dma_start3A_105 : memref<1x80xi32, #tpu.memory_space<vmem>> -> memref<80xi32, #tpu.memory_space<vmem>>
      %dma_start3A_107 = arith.constant 0 : i32
      %dma_start3A_108 = arith.constant 0 : i32
      %dma_start3A_109 = tpu.memref_slice %arg13[%dma_start3A_107, %dma_start3A_108] : memref<10000x128xf32, #tpu.memory_space<vmem_shared>> -> memref<10000x128xf32, #tpu.memory_space<vmem_shared>>
      tpu.enqueue_indirect_dma source(%dma_start3A_103 : memref<80x128xf32, #tpu.memory_space<vmem>>) target(%dma_start3A_109 : memref<10000x128xf32, #tpu.memory_space<vmem_shared>>) offsets(%dma_start3A_106 : memref<80xi32, #tpu.memory_space<vmem>>) semaphore(%arg11 : memref<!tpu.dma_semaphore, #tpu.memory_space<semaphore_mem>>) {add = true}
    }
    %scan3A_43 = arith.constant 125 : i32
    %dma_wait3A_44 = arith.constant 0 : i32
    %dma_wait3A_45 = arith.constant 0 : i32
    %dma_wait3A_46 = arith.constant 0 : i32
    %dma_wait3A_47 = arith.constant 0 : i32
    %dma_wait3A_48 = tpu.memref_slice %arg9[%dma_wait3A_44, %dma_wait3A_46, %dma_wait3A_47] : memref<3x80x128xf32, #tpu.memory_space<vmem>> -> memref<1x80x128xf32, #tpu.memory_space<vmem>>
    %dma_wait3A_49 = tpu.memref_squeeze %dma_wait3A_48 : memref<1x80x128xf32, #tpu.memory_space<vmem>> -> memref<80x128xf32, #tpu.memory_space<vmem>>
    %dma_wait3A_50 = arith.constant 0 : i32
    %dma_wait3A_51 = tpu.memref_slice %arg8[%dma_wait3A_45, %dma_wait3A_50] : memref<2x80xi32, #tpu.memory_space<vmem>> -> memref<1x80xi32, #tpu.memory_space<vmem>>
    %dma_wait3A_52 = tpu.memref_squeeze %dma_wait3A_51 : memref<1x80xi32, #tpu.memory_space<vmem>> -> memref<80xi32, #tpu.memory_space<vmem>>
    %dma_wait3A_53 = arith.constant 0 : i32
    %dma_wait3A_54 = arith.constant 0 : i32
    %dma_wait3A_55 = tpu.memref_slice %arg13[%dma_wait3A_53, %dma_wait3A_54] : memref<10000x128xf32, #tpu.memory_space<vmem_shared>> -> memref<10000x128xf32, #tpu.memory_space<vmem_shared>>
    tpu.wait_indirect_dma semaphore(%arg11 : memref<!tpu.dma_semaphore, #tpu.memory_space<semaphore_mem>>) src(%dma_wait3A_49 : memref<80x128xf32, #tpu.memory_space<vmem>>) dst(%dma_wait3A_55 : memref<10000x128xf32, #tpu.memory_space<vmem_shared>>)
    %barrier3A_56 = arith.constant 0 : index
    tpu.barrier barrier_id(%barrier3A_56)
    %mul3A_57 = arith.constant 625 : i32
    %mul3A_58 = arith.muli %arg1, %mul3A_57 : i32
    "tpu.region"() ({
      %run_scoped3A = tpu.sem_alloc : memref<!tpu.dma_semaphore, #tpu.memory_space<semaphore_mem>>
      %dma_start3A_59 = arith.constant 0 : i32
      %dma_start3A_60 = arith.constant 0 : i32
      %dma_start3A_61 = tpu.memref_slice %arg6[%arg0, %arg1, %dma_start3A_59, %dma_start3A_60] : memref<2x16x625x128xf32, #tpu.memory_space<hbm>> -> memref<1x1x625x128xf32, #tpu.memory_space<hbm>>
      %dma_start3A_62 = tpu.memref_squeeze %dma_start3A_61 : memref<1x1x625x128xf32, #tpu.memory_space<hbm>> -> memref<625x128xf32, #tpu.memory_space<hbm>>
      %dma_start3A_63 = arith.constant 0 : i32
      %dma_start3A_64 = tpu.memref_slice %arg13[%mul3A_58, %dma_start3A_63] : memref<10000x128xf32, #tpu.memory_space<vmem_shared>> -> memref<625x128xf32, #tpu.memory_space<vmem_shared>>
      tpu.enqueue_dma source(%dma_start3A_64 : memref<625x128xf32, #tpu.memory_space<vmem_shared>>) target(%dma_start3A_62 : memref<625x128xf32, #tpu.memory_space<hbm>>) target_semaphore(%run_scoped3A : memref<!tpu.dma_semaphore, #tpu.memory_space<semaphore_mem>>)
      %dma_wait3A_65 = arith.constant 0 : i32
      %dma_wait3A_66 = arith.constant 0 : i32
      %dma_wait3A_67 = tpu.memref_slice %arg6[%arg0, %arg1, %dma_wait3A_65, %dma_wait3A_66] : memref<2x16x625x128xf32, #tpu.memory_space<hbm>> -> memref<1x1x625x128xf32, #tpu.memory_space<hbm>>
      %dma_wait3A_68 = tpu.memref_squeeze %dma_wait3A_67 : memref<1x1x625x128xf32, #tpu.memory_space<hbm>> -> memref<625x128xf32, #tpu.memory_space<hbm>>
      %dma_wait3A_69 = arith.constant 0 : i32
      %dma_wait3A_70 = tpu.memref_slice %arg13[%mul3A_58, %dma_wait3A_69] : memref<10000x128xf32, #tpu.memory_space<vmem_shared>> -> memref<625x128xf32, #tpu.memory_space<vmem_shared>>
      tpu.wait_dma2 semaphore(%run_scoped3A : memref<!tpu.dma_semaphore, #tpu.memory_space<semaphore_mem>>) src(%dma_wait3A_70 : memref<625x128xf32, #tpu.memory_space<vmem_shared>>) dst(%dma_wait3A_68 : memref<625x128xf32, #tpu.memory_space<hbm>>)
      tpu.yield
    }) : () -> ()
    return
  }
}

module attributes {stable_mosaic.version = 14 : i64} {
  func.func @_enc_body(%arg0: i32, %arg1: memref<5000x128xf32, #tpu.memory_space<vmem>>, %arg2: memref<128x128xf32, #tpu.memory_space<vmem>>, %arg3: memref<1x128xf32, #tpu.memory_space<vmem>>, %arg4: memref<128x128xf32, #tpu.memory_space<vmem>>, %arg5: memref<5000x128xf32, #tpu.memory_space<vmem>>, %arg6: memref<5000x128xf32, #tpu.memory_space<vmem>>, %arg7: memref<5000x128xf32, #tpu.memory_space<vmem>>, %arg8: memref<5000x16xf32, #tpu.memory_space<vmem>>) attributes {dimension_semantics = [#tpu.dimension_semantics<arbitrary>], iteration_bounds = array<i64: 2>, scalar_prefetch = 0 : i64, scratch_operands = 0 : i64, tpu.core_type = #tpu.core_type<tc>, window_params = [{transform_indices = @transform_0, window_bounds = array<i64: 5000, 128>}, {pipeline_mode = #tpu.pipeline_mode<synchronous>, transform_indices = @transform_1, window_bounds = array<i64: 128, 128>}, {pipeline_mode = #tpu.pipeline_mode<synchronous>, transform_indices = @transform_2, window_bounds = array<i64: 1, 128>}, {pipeline_mode = #tpu.pipeline_mode<synchronous>, transform_indices = @transform_3, window_bounds = array<i64: 128, 128>}, {transform_indices = @transform_4, window_bounds = array<i64: 5000, 128>}, {transform_indices = @transform_5, window_bounds = array<i64: 5000, 128>}, {transform_indices = @transform_6, window_bounds = array<i64: 5000, 128>}, {transform_indices = @transform_7, window_bounds = array<i64: 5000, 16>}]} {
    %get3A = arith.constant 0 : index
    %get3A_0 = arith.constant 0 : index
    %get3A_1 = vector.load %arg5[%get3A, %get3A_0] : memref<5000x128xf32, #tpu.memory_space<vmem>>, vector<5000x128xf32>
    %slice3A = vector.extract_strided_slice %get3A_1 {offsets = [0, 0], sizes = [5000, 1], strides = [1, 1]} : vector<5000x128xf32> to vector<5000x1xf32>
    %get3A_2 = arith.constant 0 : index
    %get3A_3 = arith.constant 0 : index
    %get3A_4 = vector.load %arg6[%get3A_2, %get3A_3] : memref<5000x128xf32, #tpu.memory_space<vmem>>, vector<5000x128xf32>
    %slice3A_5 = vector.extract_strided_slice %get3A_4 {offsets = [0, 0], sizes = [5000, 1], strides = [1, 1]} : vector<5000x128xf32> to vector<5000x1xf32>
    %add3A = arith.addf %slice3A, %slice3A_5 : vector<5000x1xf32>
    %add3A_6 = arith.constant 1.000000e+00 : f32
    %add3A_7 = vector.broadcast %add3A_6 : f32 to vector<5000x1xf32>
    %add3A_8 = arith.addf %add3A, %add3A_7 : vector<5000x1xf32>
    %rsqrt3A = math.rsqrt %add3A_8 : vector<5000x1xf32>
    %get3A_9 = arith.constant 0 : index
    %get3A_10 = arith.constant 0 : index
    %get3A_11 = vector.load %arg1[%get3A_9, %get3A_10] : memref<5000x128xf32, #tpu.memory_space<vmem>>, vector<5000x128xf32>
    %get3A_12 = arith.constant 0 : index
    %get3A_13 = arith.constant 0 : index
    %get3A_14 = vector.load %arg2[%get3A_12, %get3A_13] : memref<128x128xf32, #tpu.memory_space<vmem>>, vector<128x128xf32>
    %dot_general3A = arith.constant dense<0.000000e+00> : vector<5000x128xf32>
    %dot_general3A_15 = tpu.matmul %get3A_11, %get3A_14, %dot_general3A {dimension_numbers = #tpu.dot_dimension_numbers<[1], [0], [0], [1], [0, 0, 1, 1], [], []>, transpose_lhs_hint = false} : vector<5000x128xf32>, vector<128x128xf32>, vector<5000x128xf32> -> vector<5000x128xf32>
    %get3A_16 = arith.constant 0 : index
    %get3A_17 = arith.constant 0 : index
    %get3A_18 = vector.load %arg3[%get3A_16, %get3A_17] : memref<1x128xf32, #tpu.memory_space<vmem>>, vector<1x128xf32>
    %add3A_19 = vector.broadcast %get3A_18 : vector<1x128xf32> to vector<5000x128xf32>
    %add3A_20 = arith.addf %dot_general3A_15, %add3A_19 : vector<5000x128xf32>
    %get3A_21 = arith.constant 0 : index
    %get3A_22 = arith.constant 0 : index
    %get3A_23 = vector.load %arg4[%get3A_21, %get3A_22] : memref<128x128xf32, #tpu.memory_space<vmem>>, vector<128x128xf32>
    %dot_general3A_24 = arith.constant dense<0.000000e+00> : vector<5000x128xf32>
    %dot_general3A_25 = tpu.matmul %add3A_20, %get3A_23, %dot_general3A_24 {dimension_numbers = #tpu.dot_dimension_numbers<[1], [0], [0], [1], [0, 0, 1, 1], [], []>, transpose_lhs_hint = false} : vector<5000x128xf32>, vector<128x128xf32>, vector<5000x128xf32> -> vector<5000x128xf32>
    %mul3A = vector.broadcast %rsqrt3A : vector<5000x1xf32> to vector<5000x128xf32>
    %mul3A_26 = arith.mulf %dot_general3A_25, %mul3A : vector<5000x128xf32>
    %swap3A = arith.constant 0 : index
    %swap3A_27 = arith.constant 0 : index
    %swap3A_28 = vector.load %arg7[%swap3A, %swap3A_27] : memref<5000x128xf32, #tpu.memory_space<vmem>>, vector<5000x128xf32>
    tpu.vector_store %arg7[%swap3A, %swap3A_27], %mul3A_26 {strides = array<i32>} : memref<5000x128xf32, #tpu.memory_space<vmem>>, vector<5000x128xf32>,
    %broadcast_in_dim3A = vector.shape_cast %rsqrt3A : vector<5000x1xf32> to vector<5000x1xf32>
    %broadcast_in_dim3A_29 = vector.broadcast %broadcast_in_dim3A : vector<5000x1xf32> to vector<5000x16xf32>
    %swap3A_30 = arith.constant 0 : index
    %swap3A_31 = arith.constant 0 : index
    %swap3A_32 = vector.load %arg8[%swap3A_30, %swap3A_31] : memref<5000x16xf32, #tpu.memory_space<vmem>>, vector<5000x16xf32>
    tpu.vector_store %arg8[%swap3A_30, %swap3A_31], %broadcast_in_dim3A_29 {strides = array<i32>} : memref<5000x16xf32, #tpu.memory_space<vmem>>, vector<5000x16xf32>,
    return
  }
  func.func @transform_0(%arg0: i32) -> (i32, i32) {
    %c0_i32 = arith.constant 0 : i32
    %c0_i32_0 = arith.constant 0 : i32
    return %arg0, %c0_i32 : i32, i32
  }
  func.func @transform_1(%arg0: i32) -> (i32, i32) {
    %c0_i32 = arith.constant 0 : i32
    %c0_i32_0 = arith.constant 0 : i32
    %c0_i32_1 = arith.constant 0 : i32
    return %c0_i32, %c0_i32_0 : i32, i32
  }
  func.func @transform_2(%arg0: i32) -> (i32, i32) {
    %c0_i32 = arith.constant 0 : i32
    %c0_i32_0 = arith.constant 0 : i32
    %c0_i32_1 = arith.constant 0 : i32
    return %c0_i32, %c0_i32_0 : i32, i32
  }
  func.func @transform_3(%arg0: i32) -> (i32, i32) {
    %c0_i32 = arith.constant 0 : i32
    %c0_i32_0 = arith.constant 0 : i32
    %c0_i32_1 = arith.constant 0 : i32
    return %c0_i32, %c0_i32_0 : i32, i32
  }
  func.func @transform_4(%arg0: i32) -> (i32, i32) {
    %c0_i32 = arith.constant 0 : i32
    %c0_i32_0 = arith.constant 0 : i32
    return %arg0, %c0_i32 : i32, i32
  }
  func.func @transform_5(%arg0: i32) -> (i32, i32) {
    %c0_i32 = arith.constant 0 : i32
    %c0_i32_0 = arith.constant 0 : i32
    return %arg0, %c0_i32 : i32, i32
  }
  func.func @transform_6(%arg0: i32) -> (i32, i32) {
    %c0_i32 = arith.constant 0 : i32
    %c0_i32_0 = arith.constant 0 : i32
    return %arg0, %c0_i32 : i32, i32
  }
  func.func @transform_7(%arg0: i32) -> (i32, i32) {
    %c0_i32 = arith.constant 0 : i32
    %c0_i32_0 = arith.constant 0 : i32
    return %arg0, %c0_i32 : i32, i32
  }
}

module attributes {stable_mosaic.version = 14 : i64} {
  func.func @_post_body(%arg0: i32, %arg1: memref<5000x128xf32, #tpu.memory_space<vmem>>, %arg2: memref<5000x128xf32, #tpu.memory_space<vmem>>, %arg3: memref<5000x128xf32, #tpu.memory_space<vmem>>, %arg4: memref<5000x16xf32, #tpu.memory_space<vmem>>, %arg5: memref<1x128xf32, #tpu.memory_space<vmem>>, %arg6: memref<128x128xf32, #tpu.memory_space<vmem>>, %arg7: memref<5000x128xf32, #tpu.memory_space<vmem>>) attributes {dimension_semantics = [#tpu.dimension_semantics<arbitrary>], iteration_bounds = array<i64: 2>, scalar_prefetch = 0 : i64, scratch_operands = 0 : i64, tpu.core_type = #tpu.core_type<tc>, window_params = [{transform_indices = @transform_0, window_bounds = array<i64: 5000, 128>}, {transform_indices = @transform_1, window_bounds = array<i64: 5000, 128>}, {transform_indices = @transform_2, window_bounds = array<i64: 5000, 128>}, {transform_indices = @transform_3, window_bounds = array<i64: 5000, 16>}, {pipeline_mode = #tpu.pipeline_mode<synchronous>, transform_indices = @transform_4, window_bounds = array<i64: 1, 128>}, {pipeline_mode = #tpu.pipeline_mode<synchronous>, transform_indices = @transform_5, window_bounds = array<i64: 128, 128>}, {transform_indices = @transform_6, window_bounds = array<i64: 5000, 128>}]} {
    %get3A = arith.constant 0 : index
    %get3A_0 = arith.constant 0 : index
    %get3A_1 = vector.load %arg4[%get3A, %get3A_0] : memref<5000x16xf32, #tpu.memory_space<vmem>>, vector<5000x16xf32>
    %slice3A = vector.extract_strided_slice %get3A_1 {offsets = [0, 0], sizes = [5000, 1], strides = [1, 1]} : vector<5000x16xf32> to vector<5000x1xf32>
    %get3A_2 = arith.constant 0 : index
    %get3A_3 = arith.constant 0 : index
    %get3A_4 = vector.load %arg1[%get3A_2, %get3A_3] : memref<5000x128xf32, #tpu.memory_space<vmem>>, vector<5000x128xf32>
    %get3A_5 = arith.constant 0 : index
    %get3A_6 = arith.constant 0 : index
    %get3A_7 = vector.load %arg2[%get3A_5, %get3A_6] : memref<5000x128xf32, #tpu.memory_space<vmem>>, vector<5000x128xf32>
    %add3A = arith.addf %get3A_4, %get3A_7 : vector<5000x128xf32>
    %get3A_8 = arith.constant 0 : index
    %get3A_9 = arith.constant 0 : index
    %get3A_10 = vector.load %arg3[%get3A_8, %get3A_9] : memref<5000x128xf32, #tpu.memory_space<vmem>>, vector<5000x128xf32>
    %add3A_11 = arith.addf %add3A, %get3A_10 : vector<5000x128xf32>
    %mul3A = vector.broadcast %slice3A : vector<5000x1xf32> to vector<5000x128xf32>
    %mul3A_12 = arith.mulf %mul3A, %add3A_11 : vector<5000x128xf32>
    %get3A_13 = arith.constant 0 : index
    %get3A_14 = arith.constant 0 : index
    %get3A_15 = vector.load %arg5[%get3A_13, %get3A_14] : memref<1x128xf32, #tpu.memory_space<vmem>>, vector<1x128xf32>
    %add3A_16 = vector.broadcast %get3A_15 : vector<1x128xf32> to vector<5000x128xf32>
    %add3A_17 = arith.addf %mul3A_12, %add3A_16 : vector<5000x128xf32>
    %max3A = arith.constant 0.000000e+00 : f32
    %max3A_18 = vector.broadcast %max3A : f32 to vector<5000x128xf32>
    %max3A_19 = arith.maximumf %add3A_17, %max3A_18 : vector<5000x128xf32>
    %get3A_20 = arith.constant 0 : index
    %get3A_21 = arith.constant 0 : index
    %get3A_22 = vector.load %arg6[%get3A_20, %get3A_21] : memref<128x128xf32, #tpu.memory_space<vmem>>, vector<128x128xf32>
    %dot_general3A = arith.constant dense<0.000000e+00> : vector<5000x128xf32>
    %dot_general3A_23 = tpu.matmul %max3A_19, %get3A_22, %dot_general3A {dimension_numbers = #tpu.dot_dimension_numbers<[1], [0], [0], [1], [0, 0, 1, 1], [], []>, transpose_lhs_hint = false} : vector<5000x128xf32>, vector<128x128xf32>, vector<5000x128xf32> -> vector<5000x128xf32>
    %mul3A_24 = vector.broadcast %slice3A : vector<5000x1xf32> to vector<5000x128xf32>
    %mul3A_25 = arith.mulf %dot_general3A_23, %mul3A_24 : vector<5000x128xf32>
    %swap3A = arith.constant 0 : index
    %swap3A_26 = arith.constant 0 : index
    %swap3A_27 = vector.load %arg7[%swap3A, %swap3A_26] : memref<5000x128xf32, #tpu.memory_space<vmem>>, vector<5000x128xf32>
    tpu.vector_store %arg7[%swap3A, %swap3A_26], %mul3A_25 {strides = array<i32>} : memref<5000x128xf32, #tpu.memory_space<vmem>>, vector<5000x128xf32>,
    return
  }
  func.func @transform_0(%arg0: i32) -> (i32, i32) {
    %c0_i32 = arith.constant 0 : i32
    %c0_i32_0 = arith.constant 0 : i32
    return %arg0, %c0_i32 : i32, i32
  }
  func.func @transform_1(%arg0: i32) -> (i32, i32) {
    %c0_i32 = arith.constant 0 : i32
    %c0_i32_0 = arith.constant 0 : i32
    return %arg0, %c0_i32 : i32, i32
  }
  func.func @transform_2(%arg0: i32) -> (i32, i32) {
    %c0_i32 = arith.constant 0 : i32
    %c0_i32_0 = arith.constant 0 : i32
    return %arg0, %c0_i32 : i32, i32
  }
  func.func @transform_3(%arg0: i32) -> (i32, i32) {
    %c0_i32 = arith.constant 0 : i32
    %c0_i32_0 = arith.constant 0 : i32
    return %arg0, %c0_i32 : i32, i32
  }
  func.func @transform_4(%arg0: i32) -> (i32, i32) {
    %c0_i32 = arith.constant 0 : i32
    %c0_i32_0 = arith.constant 0 : i32
    %c0_i32_1 = arith.constant 0 : i32
    return %c0_i32, %c0_i32_0 : i32, i32
  }
  func.func @transform_5(%arg0: i32) -> (i32, i32) {
    %c0_i32 = arith.constant 0 : i32
    %c0_i32_0 = arith.constant 0 : i32
    %c0_i32_1 = arith.constant 0 : i32
    return %c0_i32, %c0_i32_0 : i32, i32
  }
  func.func @transform_6(%arg0: i32) -> (i32, i32) {
    %c0_i32 = arith.constant 0 : i32
    %c0_i32_0 = arith.constant 0 : i32
    return %arg0, %c0_i32 : i32, i32
  }
}

module attributes {stable_mosaic.version = 14 : i64} {
  func.func @_final_body(%arg0: i32, %arg1: memref<5000x128xf32, #tpu.memory_space<vmem>>, %arg2: memref<5000x128xf32, #tpu.memory_space<vmem>>, %arg3: memref<5000x128xf32, #tpu.memory_space<vmem>>, %arg4: memref<5000x16xf32, #tpu.memory_space<vmem>>, %arg5: memref<1x128xf32, #tpu.memory_space<vmem>>, %arg6: memref<128x128xf32, #tpu.memory_space<vmem>>, %arg7: memref<1x128xf32, #tpu.memory_space<vmem>>, %arg8: memref<1x1x5000xi32, #tpu.memory_space<vmem>>, %arg9: memref<64x128xf32, #tpu.memory_space<vmem>>, %arg10: memref<64x128xf32, #tpu.memory_space<vmem>>, %arg11: memref<64x1xf32, #tpu.memory_space<vmem>>) attributes {dimension_semantics = [#tpu.dimension_semantics<arbitrary>], iteration_bounds = array<i64: 2>, scalar_prefetch = 0 : i64, scratch_operands = 2 : i64, tpu.core_type = #tpu.core_type<tc>, window_params = [{transform_indices = @transform_0, window_bounds = array<i64: 5000, 128>}, {transform_indices = @transform_1, window_bounds = array<i64: 5000, 128>}, {transform_indices = @transform_2, window_bounds = array<i64: 5000, 128>}, {transform_indices = @transform_3, window_bounds = array<i64: 5000, 16>}, {pipeline_mode = #tpu.pipeline_mode<synchronous>, transform_indices = @transform_4, window_bounds = array<i64: 1, 128>}, {pipeline_mode = #tpu.pipeline_mode<synchronous>, transform_indices = @transform_5, window_bounds = array<i64: 128, 128>}, {pipeline_mode = #tpu.pipeline_mode<synchronous>, transform_indices = @transform_6, window_bounds = array<i64: 1, 128>}, {transform_indices = @transform_7, window_bounds = array<i64: 1, 1, 5000>}, {pipeline_mode = #tpu.pipeline_mode<synchronous>, transform_indices = @transform_8, window_bounds = array<i64: 64, 128>}]} {
    %eq3A = arith.constant 0 : i32
    %eq3A_0 = arith.cmpi eq, %arg0, %eq3A : i32
    %convert_element_type3A = arith.extui %eq3A_0 : i1 to i32
    %cond3A = arith.constant 0 : i32
    %cond3A_1 = arith.cmpi ne, %convert_element_type3A, %cond3A : i32
    scf.if %cond3A_1 {
      %broadcast_in_dim3A_65 = arith.constant 0.000000e+00 : f32
      %broadcast_in_dim3A_66 = vector.broadcast %broadcast_in_dim3A_65 : f32 to vector<64x128xf32>
      %swap3A_67 = arith.constant 0 : index
      %swap3A_68 = arith.constant 0 : index
      %swap3A_69 = vector.load %arg10[%swap3A_67, %swap3A_68] : memref<64x128xf32, #tpu.memory_space<vmem>>, vector<64x128xf32>
      tpu.vector_store %arg10[%swap3A_67, %swap3A_68], %broadcast_in_dim3A_66 {strides = array<i32>} : memref<64x128xf32, #tpu.memory_space<vmem>>, vector<64x128xf32>,
      %broadcast_in_dim3A_70 = arith.constant 0.000000e+00 : f32
      %broadcast_in_dim3A_71 = vector.broadcast %broadcast_in_dim3A_70 : f32 to vector<64x1xf32>
      %swap3A_72 = arith.constant 0 : index
      %swap3A_73 = arith.constant 0 : index
      %swap3A_74 = vector.load %arg11[%swap3A_72, %swap3A_73] : memref<64x1xf32, #tpu.memory_space<vmem>>, vector<64x1xf32>
      tpu.vector_store %arg11[%swap3A_72, %swap3A_73], %broadcast_in_dim3A_71 {strides = array<i32>} : memref<64x1xf32, #tpu.memory_space<vmem>>, vector<64x1xf32>,
    } else {
    }
    %get3A = arith.constant 0 : index
    %get3A_2 = arith.constant 0 : index
    %get3A_3 = vector.load %arg4[%get3A, %get3A_2] : memref<5000x16xf32, #tpu.memory_space<vmem>>, vector<5000x16xf32>
    %slice3A = vector.extract_strided_slice %get3A_3 {offsets = [0, 0], sizes = [5000, 1], strides = [1, 1]} : vector<5000x16xf32> to vector<5000x1xf32>
    %get3A_4 = arith.constant 0 : index
    %get3A_5 = arith.constant 0 : index
    %get3A_6 = vector.load %arg1[%get3A_4, %get3A_5] : memref<5000x128xf32, #tpu.memory_space<vmem>>, vector<5000x128xf32>
    %get3A_7 = arith.constant 0 : index
    %get3A_8 = arith.constant 0 : index
    %get3A_9 = vector.load %arg2[%get3A_7, %get3A_8] : memref<5000x128xf32, #tpu.memory_space<vmem>>, vector<5000x128xf32>
    %add3A = arith.addf %get3A_6, %get3A_9 : vector<5000x128xf32>
    %get3A_10 = arith.constant 0 : index
    %get3A_11 = arith.constant 0 : index
    %get3A_12 = vector.load %arg3[%get3A_10, %get3A_11] : memref<5000x128xf32, #tpu.memory_space<vmem>>, vector<5000x128xf32>
    %add3A_13 = arith.addf %add3A, %get3A_12 : vector<5000x128xf32>
    %mul3A = vector.broadcast %slice3A : vector<5000x1xf32> to vector<5000x128xf32>
    %mul3A_14 = arith.mulf %mul3A, %add3A_13 : vector<5000x128xf32>
    %get3A_15 = arith.constant 0 : index
    %get3A_16 = arith.constant 0 : index
    %get3A_17 = vector.load %arg5[%get3A_15, %get3A_16] : memref<1x128xf32, #tpu.memory_space<vmem>>, vector<1x128xf32>
    %add3A_18 = vector.broadcast %get3A_17 : vector<1x128xf32> to vector<5000x128xf32>
    %add3A_19 = arith.addf %mul3A_14, %add3A_18 : vector<5000x128xf32>
    %get3A_20 = arith.constant 0 : index
    %get3A_21 = arith.constant 0 : index
    %get3A_22 = vector.load %arg6[%get3A_20, %get3A_21] : memref<128x128xf32, #tpu.memory_space<vmem>>, vector<128x128xf32>
    %dot_general3A = arith.constant dense<0.000000e+00> : vector<5000x128xf32>
    %dot_general3A_23 = tpu.matmul %add3A_19, %get3A_22, %dot_general3A {dimension_numbers = #tpu.dot_dimension_numbers<[1], [0], [0], [1], [0, 0, 1, 1], [], []>, transpose_lhs_hint = false} : vector<5000x128xf32>, vector<128x128xf32>, vector<5000x128xf32> -> vector<5000x128xf32>
    %get3A_24 = arith.constant 0 : index
    %get3A_25 = arith.constant 0 : index
    %get3A_26 = vector.load %arg7[%get3A_24, %get3A_25] : memref<1x128xf32, #tpu.memory_space<vmem>>, vector<1x128xf32>
    %add3A_27 = vector.broadcast %get3A_26 : vector<1x128xf32> to vector<5000x128xf32>
    %add3A_28 = arith.addf %dot_general3A_23, %add3A_27 : vector<5000x128xf32>
    %get3A_29 = arith.constant 0 : index
    %get3A_30 = arith.constant 0 : index
    %get3A_31 = arith.constant 0 : index
    %get3A_32 = vector.load %arg8[%get3A_29, %get3A_30, %get3A_31] : memref<1x1x5000xi32, #tpu.memory_space<vmem>>, vector<1x1x5000xi32>
    %reshape3A = vector.shape_cast %get3A_32 : vector<1x1x5000xi32> to vector<1x5000xi32>
    %iota3A = tpu.iota {dimensions = array<i32: 0>} : vector<64x5000xi32>
    %eq3A_33 = vector.broadcast %reshape3A : vector<1x5000xi32> to vector<64x5000xi32>
    %eq3A_34 = arith.cmpi eq, %iota3A, %eq3A_33 : vector<64x5000xi32>
    %convert_element_type3A_35 = arith.extui %eq3A_34 : vector<64x5000xi1> to vector<64x5000xi32>
    %convert_element_type3A_36 = arith.sitofp %convert_element_type3A_35 : vector<64x5000xi32> to vector<64x5000xf32>
    %get3A_37 = arith.constant 0 : index
    %get3A_38 = arith.constant 0 : index
    %get3A_39 = vector.load %arg10[%get3A_37, %get3A_38] : memref<64x128xf32, #tpu.memory_space<vmem>>, vector<64x128xf32>
    %dot_general3A_40 = arith.constant dense<0.000000e+00> : vector<64x128xf32>
    %dot_general3A_41 = tpu.matmul %convert_element_type3A_36, %add3A_28, %dot_general3A_40 {dimension_numbers = #tpu.dot_dimension_numbers<[1], [0], [0], [1], [0, 0, 1, 1], [], []>, transpose_lhs_hint = false} : vector<64x5000xf32>, vector<5000x128xf32>, vector<64x128xf32> -> vector<64x128xf32>
    %add3A_42 = arith.addf %get3A_39, %dot_general3A_41 : vector<64x128xf32>
    %swap3A = arith.constant 0 : index
    %swap3A_43 = arith.constant 0 : index
    %swap3A_44 = vector.load %arg10[%swap3A, %swap3A_43] : memref<64x128xf32, #tpu.memory_space<vmem>>, vector<64x128xf32>
    tpu.vector_store %arg10[%swap3A, %swap3A_43], %add3A_42 {strides = array<i32>} : memref<64x128xf32, #tpu.memory_space<vmem>>, vector<64x128xf32>,
    %get3A_45 = arith.constant 0 : index
    %get3A_46 = arith.constant 0 : index
    %get3A_47 = vector.load %arg11[%get3A_45, %get3A_46] : memref<64x1xf32, #tpu.memory_space<vmem>>, vector<64x1xf32>
    %reduce_sum3A = arith.constant dense<0.000000e+00> : vector<64xf32>
    %reduce_sum3A_48 = vector.multi_reduction <add>, %convert_element_type3A_36, %reduce_sum3A [1] : vector<64x5000xf32> to vector<64xf32>
    %broadcast_in_dim3A = vector.shape_cast %reduce_sum3A_48 : vector<64xf32> to vector<64x1xf32>
    %add3A_49 = arith.addf %get3A_47, %broadcast_in_dim3A : vector<64x1xf32>
    %swap3A_50 = arith.constant 0 : index
    %swap3A_51 = arith.constant 0 : index
    %swap3A_52 = vector.load %arg11[%swap3A_50, %swap3A_51] : memref<64x1xf32, #tpu.memory_space<vmem>>, vector<64x1xf32>
    tpu.vector_store %arg11[%swap3A_50, %swap3A_51], %add3A_49 {strides = array<i32>} : memref<64x1xf32, #tpu.memory_space<vmem>>, vector<64x1xf32>,
    %get3A_53 = arith.constant 0 : index
    %get3A_54 = arith.constant 0 : index
    %get3A_55 = vector.load %arg10[%get3A_53, %get3A_54] : memref<64x128xf32, #tpu.memory_space<vmem>>, vector<64x128xf32>
    %get3A_56 = arith.constant 0 : index
    %get3A_57 = arith.constant 0 : index
    %get3A_58 = vector.load %arg11[%get3A_56, %get3A_57] : memref<64x1xf32, #tpu.memory_space<vmem>>, vector<64x1xf32>
    %max3A = arith.constant 1.000000e+00 : f32
    %max3A_59 = vector.broadcast %max3A : f32 to vector<64x1xf32>
    %max3A_60 = arith.maximumf %get3A_58, %max3A_59 : vector<64x1xf32>
    %div3A = vector.broadcast %max3A_60 : vector<64x1xf32> to vector<64x128xf32>
    %div3A_61 = arith.divf %get3A_55, %div3A : vector<64x128xf32>
    %swap3A_62 = arith.constant 0 : index
    %swap3A_63 = arith.constant 0 : index
    %swap3A_64 = vector.load %arg9[%swap3A_62, %swap3A_63] : memref<64x128xf32, #tpu.memory_space<vmem>>, vector<64x128xf32>
    tpu.vector_store %arg9[%swap3A_62, %swap3A_63], %div3A_61 {strides = array<i32>} : memref<64x128xf32, #tpu.memory_space<vmem>>, vector<64x128xf32>,
    return
  }
  func.func @transform_0(%arg0: i32) -> (i32, i32) {
    %c0_i32 = arith.constant 0 : i32
    %c0_i32_0 = arith.constant 0 : i32
    return %arg0, %c0_i32 : i32, i32
  }
  func.func @transform_1(%arg0: i32) -> (i32, i32) {
    %c0_i32 = arith.constant 0 : i32
    %c0_i32_0 = arith.constant 0 : i32
    return %arg0, %c0_i32 : i32, i32
  }
  func.func @transform_2(%arg0: i32) -> (i32, i32) {
    %c0_i32 = arith.constant 0 : i32
    %c0_i32_0 = arith.constant 0 : i32
    return %arg0, %c0_i32 : i32, i32
  }
  func.func @transform_3(%arg0: i32) -> (i32, i32) {
    %c0_i32 = arith.constant 0 : i32
    %c0_i32_0 = arith.constant 0 : i32
    return %arg0, %c0_i32 : i32, i32
  }
  func.func @transform_4(%arg0: i32) -> (i32, i32) {
    %c0_i32 = arith.constant 0 : i32
    %c0_i32_0 = arith.constant 0 : i32
    %c0_i32_1 = arith.constant 0 : i32
    return %c0_i32, %c0_i32_0 : i32, i32
  }
  func.func @transform_5(%arg0: i32) -> (i32, i32) {
    %c0_i32 = arith.constant 0 : i32
    %c0_i32_0 = arith.constant 0 : i32
    %c0_i32_1 = arith.constant 0 : i32
    return %c0_i32, %c0_i32_0 : i32, i32
  }
  func.func @transform_6(%arg0: i32) -> (i32, i32) {
    %c0_i32 = arith.constant 0 : i32
    %c0_i32_0 = arith.constant 0 : i32
    %c0_i32_1 = arith.constant 0 : i32
    return %c0_i32, %c0_i32_0 : i32, i32
  }
  func.func @transform_7(%arg0: i32) -> (i32, i32, i32) {
    %c0_i32 = arith.constant 0 : i32
    %c0_i32_0 = arith.constant 0 : i32
    %c0_i32_1 = arith.constant 0 : i32
    return %arg0, %c0_i32, %c0_i32_0 : i32, i32, i32
  }
  func.func @transform_8(%arg0: i32) -> (i32, i32) {
    %c0_i32 = arith.constant 0 : i32
    %c0_i32_0 = arith.constant 0 : i32
    %c0_i32_1 = arith.constant 0 : i32
    return %c0_i32, %c0_i32_0 : i32, i32
  }
}

</mosaic_0001>

<sc_bundles>
// kernel: kernel.10.cloned.1.call-start
scs
__scs_entry_jumppad:
0x0: {  	(pc) =	sbr.rel $0x88, $3  }
0x1: {  	(tag) =	ssettag $0x0;
	lr =	simm.s32 $0x1  }
0x2: {  	[smem:$0x3F94] =	sst lr;
	_ =	strace $0xD0000000  }
0x3: {  	_ = 	snop  }
0x4: {  	_ = 	snop  }
0x5: {  	_ = 	snop  }
0x6: {  	_ = 	snop  }
0x7: {  	_ = 	snop  }
__scs_overlays_trampoline_lowered:
0x8: {  	[smem:$0x3FA3] =	sst s0  }
0x9: {  	[smem:$0x3FA4] =	sst s1  }
0xa: {  	[smem:$0x3FA5] =	sst s2  }
0xb: {  	[smem:$0x3FA6] =	sst s3  }
0xc: {  	[smem:$0x3FA7] =	sst s4  }
0xd: {  	[smem:$0x3FA8] =	sst s5  }
0xe: {  	[smem:$0x3FA9] =	sst s6  }
0xf: {  	[smem:$0x3FAA] =	sst s7  }
0x10: {  	[smem:$0x3FAB] =	sst s8  }
0x11: {  	[smem:$0x3FAC] =	sst s9;
	s0 =	simm.s32 @!p0 $0x0  }
0x12: {  	s1 =	sld [smem:$0x3F92];
	s0 =	simm.s32 @p0 $0x1  }
0x13: {  	[smem:$0x3FAD] =	sst s0;
	s0 =	simm.s32 @!p1 $0x0  }
0x14: {  	s2 =	sld [smem:$0x3F91];
	s0 =	simm.s32 @p1 $0x1  }
0x15: {  	[smem:$0x3FAE] =	sst s0;
	s0 =	simm.s32 @!p2 $0x0  }
0x16: {  	s3 =	sld [smem:$0x3FDB];
	s0 =	simm.s32 @p2 $0x1  }
0x17: {  	s4 =	simm.s32 $0x1BF5;
	[smem:$0x3FB0] =	sst s0  }
0x18: {  	s0 =	sld [smem:$0x3F93];
	_ =	swait.ge [sflag:s4], $0x0  }
0x19: {  	s7 =	sld [smem:$0x3F94]  }
0x1a: {  	s8 =	sadd.s32 $0xFFFFE003, lr  }
0x1b: {  	s9 =	sadd.s32 $0xFFFFFEF7, lr;
	s5 =	simm.s32 $0xFFFFFFFF;
	p2 =	slt.u32 s8, $0xFFFFF086  }
0x1c: {  	p1 =	slt.u32 s9, $0xF7A;
	s5 =	simm.s32 @!p2 $0x0  }
0x1d: {  	s5 =	simm.s32 @p1 $0x1;
	p0 =	seq.s32 s7, s2  }
0x1e: {  	s7 =	smul.u32 @!p0 $0xF7A, s2;
	p2 =	seq.s32 @!p0 s5, $0x0  }
0x1f: {  	s9 =	smul.u32 $0xF7A, s1;
	s8 =	simm.s32 @!p0 $0x1BF5;
	p2 =	por !p2, p0  }
0x20: {  	[sflag:s8] =	ssyncset.s32 @!p0 $0xFFFFF086;
	s6 =	sadd.s32 @!p0 s3, s7;
	s7 =	simm.s32 @!p0 $0x108  }
0x21: {  	s3 =	sadd.s32 s3, s9;
	s6 =	sadd.s32 @!p0 $0x88, s6;
	s7 =	simm.s32 @p2 $0x1082  }
0x22: {  	[simem:s7], [sflag:s8] =	dma.local @!p0 [hbm:s6], $0xF7A  }
0x23: {  	s9 =	sor.u32 $0xD0000000, s2;
	s6 =	simm.s32 $0x108;
	_ =	swait.ge @!p0 [sflag:s8], $0x0  }
0x24: {  	s3 =	sadd.s32 $0x88, s3;
	s6 =	simm.s32 @!p1 $0x1082;
	[sflag:s4] =	ssyncset.s32 $0xFFFFF086  }
0x25: {  	[simem:s6], [sflag:s4] =	dma.local [hbm:s3], $0xF7A  }
0x26: {  	[smem:$0x3F94] =	sst s1;
	(tag) =	ssettag s2;
	_ =	strace s9  }
0x27: {  	s1 =	sld [smem:$0x3FA4]  }
0x28: {  	s2 =	sld [smem:$0x3FA5]  }
0x29: {  	s4 =	sld [smem:$0x3FA7]  }
0x2a: {  	p0 =	seq.s32 s5, $0x0;
	s5 =	sld [smem:$0x3FA8]  }
0x2b: {  	s6 =	sld [smem:$0x3FA9]  }
0x2c: {  	s7 =	sld [smem:$0x3FAA]  }
0x2d: {  	s3 =	simm.s32 $0x108;
	s8 =	sld [smem:$0x3FAB]  }
0x2e: {  	s3 =	simm.s32 @!p0 $0x1082;
	s9 =	sld [smem:$0x3FAC]  }
0x2f: {  	lr =	sadd.s32 s0, s3;
	s0 =	sld [smem:$0x3FA3]  }
0x30: {  	s3 =	sld [smem:$0x3FA6]  }
0x31: {  	[smem:$0x3FAF] =	sst s10  }
0x32: {  	s10 =	sld [smem:$0x3FAD];
	_ =	sdelay $0x3  }
0x33: {  	p0 =	seq.s32 s10, $0x1;
	s10 =	sld [smem:$0x3FAF];
	_ =	sdelay $0x3  }
0x34: {  	[smem:$0x3FAF] =	sst s10  }
0x35: {  	s10 =	sld [smem:$0x3FAE];
	_ =	sdelay $0x3  }
0x36: {  	p1 =	seq.s32 s10, $0x1;
	s10 =	sld [smem:$0x3FAF];
	_ =	sdelay $0x3  }
0x37: {  	[smem:$0x3FAF] =	sst s10  }
0x38: {  	s10 =	sld [smem:$0x3FB0]  }
0x39: {  	_ = 	snop;
	(pc) =	sbr.ind lr, $3  }
0x3a: {  	_ = 	snop  }
0x3b: {  	_ = 	snop  }
0x3c: {  	p2 =	seq.s32 s10, $0x1;
	s10 =	sld [smem:$0x3FAF]  }
0x3d: {  	_ =	shalt  }
0x3e: {  	_ =	shalt  }
0x3f: {  	_ =	shalt  }
0x40: {  	_ =	shalt  }
0x41: {  	_ =	shalt  }
0x42: {  	_ =	shalt  }
0x43: {  	_ =	shalt  }
0x44: {  	_ =	shalt  }
0x45: {  	_ =	shalt  }
0x46: {  	_ =	shalt  }
0x47: {  	_ =	shalt  }
0x48: {  	_ =	shalt  }
0x49: {  	_ =	shalt  }
0x4a: {  	_ =	shalt  }
0x4b: {  	_ =	shalt  }
0x4c: {  	_ =	shalt  }
0x4d: {  	_ =	shalt  }
0x4e: {  	_ =	shalt  }
0x4f: {  	_ =	shalt  }
0x50: {  	_ =	shalt  }
0x51: {  	_ =	shalt  }
0x52: {  	_ =	shalt  }
0x53: {  	_ =	shalt  }
0x54: {  	_ =	shalt  }
0x55: {  	_ =	shalt  }
0x56: {  	_ =	shalt  }
0x57: {  	_ =	shalt  }
0x58: {  	_ =	shalt  }
0x59: {  	_ =	shalt  }
0x5a: {  	_ =	shalt  }
0x5b: {  	_ =	shalt  }
0x5c: {  	_ =	shalt  }
0x5d: {  	_ =	shalt  }
0x5e: {  	_ =	shalt  }
0x5f: {  	_ =	shalt  }
0x60: {  	_ =	shalt  }
0x61: {  	_ =	shalt  }
0x62: {  	_ =	shalt  }
0x63: {  	_ =	shalt  }
0x64: {  	_ =	shalt  }
0x65: {  	_ =	shalt  }
0x66: {  	_ =	shalt  }
0x67: {  	_ =	shalt  }
0x68: {  	_ =	shalt  }
0x69: {  	_ =	shalt  }
0x6a: {  	_ =	shalt  }
0x6b: {  	_ =	shalt  }
0x6c: {  	_ =	shalt  }
0x6d: {  	_ =	shalt  }
0x6e: {  	_ =	shalt  }
0x6f: {  	_ =	shalt  }
0x70: {  	_ =	shalt  }
0x71: {  	_ =	shalt  }
0x72: {  	_ =	shalt  }
0x73: {  	_ =	shalt  }
0x74: {  	_ =	shalt  }
0x75: {  	_ =	shalt  }
0x76: {  	_ =	shalt  }
0x77: {  	_ =	shalt  }
0x78: {  	_ =	shalt  }
0x79: {  	_ =	shalt  }
0x7a: {  	_ =	shalt  }
0x7b: {  	_ =	shalt  }
0x7c: {  	_ =	shalt  }
0x7d: {  	_ =	shalt  }
0x7e: {  	_ =	shalt  }
0x7f: {  	_ =	shalt  }
0x80: {  	_ =	shalt  }
0x81: {  	_ =	shalt  }
0x82: {  	_ =	shalt  }
0x83: {  	_ =	shalt  }
0x84: {  	_ =	shalt  }
0x85: {  	_ =	shalt  }
0x86: {  	_ =	shalt  }
0x87: {  	_ =	shalt  }
.Lfunc_end0:
.L_simem_size_0:
called_computation_lowered:
.L_overlay_start_0:
0x88: {  	s2 =	sld [smem:$0x3FD9]  }
0x89: {  	s3 =	sld [smem:$0x3FFE];
	_ =	sdelay $0x1  }
0x8a: {  	s1 =	srdreg.scid  }
0x8b: {  	s0 =	sand.u32 $0x1, s1  }
0x8c: {  	s16 =	sshll.u32 s0, $0xA;
	s2 =	sadd.s32 s3, s2  }
0x8d: {  	s2 =	sadd.s32 s2, s16  }
0x8e: {  	[smem:$0x3FBB] =	sst s2  }
0x8f: {  	_ = 	snop  }
0x90: {  	(tm) =	ssettm $0x1  }
0x91: {  	s17 =	sld [smem:$0x3FFB];
	_ =	sdelay $0x3  }
0x92: {  	_ =	strace s17  }
0x93: {  	s2 =	sld [smem:$0x3FFC];
	_ =	sdelay $0x3  }
0x94: {  	_ =	strace s2  }
0x95: {  	s2 =	sld [smem:$0x3FFD];
	_ =	sdelay $0x3  }
0x96: {  	_ =	strace s2  }
0x97: {  	_ =	strace $0x8FFFFFFF  }
0x98: {  	s18 =	sld [smem:$0x3FDB];
	_ =	sdelay $0x1  }
0x99: {  	s19 =	simm.s32 $_scs_section_size  }
0x9a: {  	s4 =	simm.s32 $_size__tile_overlayer_lowered;
	s5 =	simm.s32 $_tile_overlayer_lowered  }
0x9b: {  	s22 =	simm.s32 $0x1BFF;
	s21 =	sshll.u32 s5, $0x1;
	s2 =	sadd.s32 s19, s18  }
0x9c: {  	s6 =	simm.s32 $0x0;
	s20 =	sshll.u32 s4, $0x1;
	s4 =	sadd.s32 s21, s2  }
0x9d: {  	[timem:s6], [sflag:s22] =	dma.local [hbm:s4], s20  }
0x9e: {  	_ =	swait.ge [sflag:s22], s20  }
0x9f: {  	s3 =	ssub.s32 $0x0, s20;
	[sflag:s22] =	ssyncset.done $0x0  }
0xa0: {  	[sflag:s22] =	ssyncadd.s32 s3;
	_ =	sdelay $0x1  }
0xa1: {  	s23 =	simm.s32 $0x1B8B  }
0xa2: {  	_ =	swait.ge [sflag:s23], $0x1  }
0xa3: {  	[sflag:s23] =	ssyncset.done $0x0  }
0xa4: {  	s25 =	simm.s32 $0x1B8E;
	s24 =	sld [smem:$0x3FFE];
	[sflag:s23] =	ssyncadd.s32 $0xFFFFFFFF  }
0xa5: {  	s26 =	simm.s32 $execute0_lowered;
	[smem:$0x3FD2] =	sst s25  }
0xa6: {  	s4 =	sshll.u32 s26, $0x1;
	_ =	strace $0x80000046;
	[dreg:$0x1] =	wrdreg $0xFFFFFFFF  }
0xa7: {  	s28 =	simm.s32 $_size_execute0_lowered;
	s2 =	sadd.s32 s2, s4;
	[dreg:$0x0] =	wrdreg $0x0  }
0xa8: {  	s4 =	sshll.u32 s28, $0x1;
	[dreg:$0x2] =	wrdreg s2  }
0xa9: {  	[dreg:$0x3] =	wrdreg s4  }
0xaa: {  	[dreg:$0x4] =	wrdreg $0xC0  }
0xab: {  	_ =	task [dreg:s6], $0x5FFFF  }
0xac: {  	[dreg:$0x1] =	wrdreg $0xFFFFFFFF  }
0xad: {  	[dreg:$0x0] =	wrdreg $0x60  }
0xae: {  	[dreg:$0x2] =	wrdreg s24  }
0xaf: {  	[dreg:$0x3] =	wrdreg $0x68000  }
0xb0: {  	[dreg:$0x4] =	wrdreg $0x9  }
0xb1: {  	_ =	task.clear_ibuf [dreg:s6], $0x5FFFF;
	_ =	strace $0x90000046  }
0xb2: {  	s29 =	simm.s32 $0x9;
	_ =	strace $0x80000048  }
0xb3: {  	_ =	swait.ge [sflag:s29], $0x1  }
0xb4: {  	[sflag:s29] =	ssyncadd.s32 $0xFFFFFFFF  }
0xb5: {  	_ =	strace $0x90000048  }
0xb6: {  	_ =	sfence  }
0xb7: {  	s30 =	sld [smem:$0x0];
	_ =	sdelay $0x2  }
0xb8: {  	s31 =	sshll.u32 s1, $0xD;
	s1 =	sshrl.u32 s1, $0x2  }
0xb9: {  	s3 =	sand.u32 $0x4000, s31;
	s1 =	sadd.s32 s1, s30  }
0xba: {  	s0 =	sor.u32 s3, s0;
	s1 =	sshll.u32 s1, $0x11  }
0xbb: {  	s0 =	sor.u32 s1, s0  }
0xbc: {  	s0 =	sadd.s32 $0x8F2B, s0  }
0xbd: {  	[sflag:s0] =	ssyncadd.remote.s32 $0x1  }
0xbe: {  	_ =	sfence.sel $0xFFFF  }
0xbf: {  	[dreg:$0x0] =	wrdreg $0xFFFFFFFF;
	(pc) =	sbr.abs _section_cstart, $3  }
0xc0: {  	[dreg:$0x1] =	wrdreg $0xFFFFFFFF  }
0xc1: {  	_ =	task.clear_ibuf [dreg:s6], $0x2FFFF;
	_ =	strace $0x9FFFFFFF  }
0xc2: {  	(tm) =	ssettm $0x7FFFFFFF  }
0xc3: {  	_ =	shalt  }
tec
execute0_lowered:
.L_overlay_start_1:
0x0: {  	(tag) =	ssettag $0x1  }
0x1: {  	s6 =	rddreg [dreg:$0x0]  }
0x2: {  	s1 =	rddreg [dreg:$0x1]  }
0x3: {  	s2 =	srdreg.scid;
	s0 =	rddreg [dreg:$0x2];
	s3 =	simm.s32 $0x0  }
0x4: {  	s13 =	simm.s32 $0x1;
	s14 =	simm.s32 $0x50;
	s15 =	simm.s32 $0x80  }
0x5: {  	s16 =	simm.s32 $0x100;
	s17 =	simm.s32 $0x180;
	s19 =	simm.s32 $0x0  }
0x6: {  	s7 =	sand.u32 $0x1, s2;
	s2 =	stileid.u32;
	[smem:$0x7FF] =	sst s3  }
0x7: {  	s5 =	sadd.s32 $0x15800, s6;
	s8 =	smul.u32 $0x13C000, s7;
	s4 =	sshll.u32 s2, $0xB  }
0x8: {  	s9 =	smul.u32 $0x13C00, s2;
	_ =	strace $0x80000047;
	s28 =	ssub.s32 $0x2, s7  }
0x9: {  	s12 =	smul.u32 $0x4E200, s2;
	s29 =	sshll.u32 s7, $0xF;
	s18 =	sshll.u32 s2, $0x6  }
0xa: {  	s10 =	sadd.s32 s4, s6;
	s4 =	sadd.s32 $0x18000, s6;
	s11 =	sshrl.u32 s28, $0x1  }
0xb: {  	s8 =	sadd.s32 s9, s8;
	s9 =	ssub.s32 s28, s11;
	s30 =	sshrl.u32 s12, $0x2  }
0xc: {  	s10 =	sadd.s32 s29, s10;
	s11 =	simm.s32 $0x2;
	s12 =	simm.s32 $0x4000  }
0xd: {  	s8 =	sshrl.u32 s8, $0x3;
	s31 =	sadd.s32 s30, s1;
	s7 =	sadd.s32 $0x5800, s10  }
0xe: {  	s9 =	smax.u32 s9, $0x1;
	s8 =	sadd.s32 s8, s6;
	s6 =	sor.u32 $0x1C01, s18  }
0xf: {  	s10 =	sshrl.u32 s31, $0x3;
	s18 =	sor.u32 $0x1C02, s18;
	s8 =	sadd.s32 $0x18600, s8  }
.LBB2_1:
0x10: {  	[spmem:s10], [sflag:s6] =	dma.local [hbm:s5], $0x2710  }
0x11: {  	[tilespmem:s3], [sflag:$0x2] =	stream.linear.gather [hbm4b:s7+s3], $0x3E80, $0x38;
	[tilespmem:$0x1A080] =	vst v63  }
0x12: {  	_ =	swait.ge [sflag:s11], $0x3E80  }
0x13: {  	[sflag:s11] =	ssyncset.done $0x0  }
0x14: {  	[sflag:s11] =	ssyncadd.s32 $0xFFFFC180  }
0x15: {  	[tilespmem:s12], [sflag:$0x2] =	stream.linear.gather [hbm4b:s4+s3], $0x2800, $0x38;
	[tilespmem:$0x1A080] =	vst v63  }
0x16: {  	_ =	swait.ge [sflag:s11], $0x2800  }
0x17: {  	[sflag:s11] =	ssyncset.done $0x0  }
0x18: {  	[sflag:s11] =	ssyncadd.s32 $0xFFFFD800  }
0x19: {  	_ =	swait.ge [sflag:s13], $0x2710  }
0x1a: {  	[sflag:s13] =	ssyncset.done $0x0  }
0x1b: {  	[sflag:s13] =	ssyncadd.s32 $0xFFFFD8F0  }
0x1c: {  	[bflag:$0x0] =	sbarrier.arrive $0xFFFF  }
0x1d: {  	[spmem:s1] =	stream.indirect.scatter.add.f32 [tilespmem:s12], [sflag:$0x1], $0x80, s3, s14, $0xb8;
	[tilespmem:$0x1A080] =	vst v63  }
0x1e: {  	_ = 	snop  }
0x1f: {  	[spmem:s1] =	stream.indirect.scatter.add.f32 [tilespmem:s12], [sflag:$0x1], $0x80, s15, s14, $0xb8;
	[tilespmem:$0x1A080] =	vst v63  }
0x20: {  	_ = 	snop  }
0x21: {  	[spmem:s1] =	stream.indirect.scatter.add.f32 [tilespmem:s12], [sflag:$0x1], $0x80, s16, s14, $0xb8;
	[tilespmem:$0x1A080] =	vst v63  }
0x22: {  	_ = 	snop  }
0x23: {  	[spmem:s1] =	stream.indirect.scatter.add.f32 [tilespmem:s12], [sflag:$0x1], $0x80, s17, s14, $0xb8;
	[tilespmem:$0x1A080] =	vst v63  }
0x24: {  	_ =	swait.ge [sflag:s13], $0x2800  }
0x25: {  	[sflag:s13] =	ssyncset.done $0x0  }
0x26: {  	s20 =	simm.s32 $0xA00;
	s21 =	simm.s32 $0x200;
	[sflag:s13] =	ssyncadd.s32 $0xFFFFD800  }
.LBB2_2:
0x27: {  	[spmem:s1] =	stream.indirect.scatter.add.f32 [tilespmem:s12], [sflag:$0x1], $0x80, s21, s14, $0xb8;
	[tilespmem:$0x1A080] =	vst v63  }
0x28: {  	s21 =	smov.u32 s20;
	p0 =	sne.s32 s20, $0xF800  }
.Ltmp0:
0x29: {  	s20 =	sadd.s32 $0x200, s20;
	(pc) =	sbr.rel @p0 .LBB2_2-.Ltmp0, $4  }
0x2a: {  	_ = 	snop  }
0x2b: {  	_ =	swait.ge [sflag:s13], $0x2800  }
0x2c: {  	[sflag:s13] =	ssyncset.done $0x0  }
0x2d: {  	s21 =	sshra.s32 s21, $0x2;
	[sflag:s13] =	ssyncadd.s32 $0xFFFFD800  }
0x2e: {  	[spmem:s1] =	stream.indirect.scatter.add.f32 [tilespmem:s12], [sflag:$0x1], $0x80, s21, s14, $0xb8;
	[tilespmem:$0x1A080] =	vst v63  }
0x2f: {  	_ =	swait.ge [sflag:s13], $0x2800  }
0x30: {  	[sflag:s13] =	ssyncset.done $0x0  }
0x31: {  	[sflag:s13] =	ssyncadd.s32 $0xFFFFD800  }
0x32: {  	_ =	swait.ge [sflag:s13], $0x2800  }
0x33: {  	[sflag:s13] =	ssyncset.done $0x0  }
0x34: {  	[sflag:s13] =	ssyncadd.s32 $0xFFFFD800  }
0x35: {  	_ =	swait.ge [sflag:s13], $0x2800  }
0x36: {  	[sflag:s13] =	ssyncset.done $0x0  }
0x37: {  	[sflag:s13] =	ssyncadd.s32 $0xFFFFD800  }
0x38: {  	_ =	swait.ge [sflag:s13], $0x2800  }
0x39: {  	s19 =	sadd.s32 $0x1, s19;
	[sflag:s13] =	ssyncset.done $0x0  }
0x3a: {  	p0 =	sne.s32 s19, s9;
	[sflag:s13] =	ssyncadd.s32 $0xFFFFD800  }
.Ltmp1:
0x3b: {  	[bflag:$0x0] =	sbarrier.arrive $0xFFFF;
	(pc) =	sbr.rel @p0 .LBB2_1-.Ltmp1, $4  }
0x3c: {  	[hbm:s8], [sflag:s18] =	dma.local [spmem:s10], $0x2710  }
0x3d: {  	_ =	swait.ge [sflag:s11], $0x2710  }
0x3e: {  	[sflag:s11] =	ssyncset.done $0x0  }
0x3f: {  	[sflag:s11] =	ssyncadd.s32 $0xFFFFD8F0  }
0x40: {  	_ =	sfence.sel $0x180000  }
0x41: {  	[bflag:$0x0] =	sbarrier.arrive $0xFFFF  }
0x42: {  	p0 =	sne.s32 s2, $0x0;
	_ =	strace $0x90000047  }
0x43: {  	s0 =	sadd.s32 @!p0 $0x100000, s0;
	[bflag:$0x2] =	sbarrier.arrive $0xFFFF  }
0x44: {  	[sflag:s0] =	ssyncadd.tile.s32 @!p0 $0x1;
	_ =	shalt  }
.Lfunc_end2:
_tile_overlayer_lowered:
.L_overlay_start_2:
0x45: {  	(tag) =	ssettag $0x2  }
0x46: {  	s0 =	rddreg [dreg:$0x0];
	s2 =	stileid.u32  }
0x47: {  	s1 =	rddreg [dreg:$0x1];
	p0 =	sne.s32 s2, $0x0  }
0x48: {  	s3 =	rddreg [dreg:$0x2];
	[bflag:$0x3] =	sbarrier.arrive $0xFFFF;
	s2 =	simm.s32 @!p0 $0x1C02  }
0x49: {  	[timem:s3], [sflag:s2] =	dma.local @!p0 [hbm:s0], s1  }
0x4a: {  	s0 =	simm.s32 @!p0 $0x2  }
0x4b: {  	_ =	swait.ge @!p0 [sflag:s0], s1  }
0x4c: {  	s1 =	ssub.s32 @!p0 $0x0, s1;
	[sflag:s0] =	ssyncset.done @!p0 $0x0  }
0x4d: {  	[sflag:s0] =	ssyncadd.s32 @!p0 s1  }
0x4e: {  	[bflag:$0x3] =	sbarrier.arrive $0xFFFF  }
0x4f: {  	_ =	shalt  }

// kernel: kernel.13.cloned.1.call-start
scs
__scs_entry_jumppad:
0x0: {  	(pc) =	sbr.rel $0x88, $3  }
0x1: {  	(tag) =	ssettag $0x0;
	lr =	simm.s32 $0x1  }
0x2: {  	[smem:$0x3F94] =	sst lr;
	_ =	strace $0xD0000000  }
0x3: {  	_ = 	snop  }
0x4: {  	_ = 	snop  }
0x5: {  	_ = 	snop  }
0x6: {  	_ = 	snop  }
0x7: {  	_ = 	snop  }
__scs_overlays_trampoline_lowered:
0x8: {  	[smem:$0x3FA3] =	sst s0  }
0x9: {  	[smem:$0x3FA4] =	sst s1  }
0xa: {  	[smem:$0x3FA5] =	sst s2  }
0xb: {  	[smem:$0x3FA6] =	sst s3  }
0xc: {  	[smem:$0x3FA7] =	sst s4  }
0xd: {  	[smem:$0x3FA8] =	sst s5  }
0xe: {  	[smem:$0x3FA9] =	sst s6  }
0xf: {  	[smem:$0x3FAA] =	sst s7  }
0x10: {  	[smem:$0x3FAB] =	sst s8  }
0x11: {  	[smem:$0x3FAC] =	sst s9;
	s0 =	simm.s32 @!p0 $0x0  }
0x12: {  	s1 =	sld [smem:$0x3F92];
	s0 =	simm.s32 @p0 $0x1  }
0x13: {  	[smem:$0x3FAD] =	sst s0;
	s0 =	simm.s32 @!p1 $0x0  }
0x14: {  	s2 =	sld [smem:$0x3F91];
	s0 =	simm.s32 @p1 $0x1  }
0x15: {  	[smem:$0x3FAE] =	sst s0;
	s0 =	simm.s32 @!p2 $0x0  }
0x16: {  	s3 =	sld [smem:$0x3FDB];
	s0 =	simm.s32 @p2 $0x1  }
0x17: {  	s4 =	simm.s32 $0x1BF5;
	[smem:$0x3FB0] =	sst s0  }
0x18: {  	s0 =	sld [smem:$0x3F93];
	_ =	swait.ge [sflag:s4], $0x0  }
0x19: {  	s7 =	sld [smem:$0x3F94]  }
0x1a: {  	s8 =	sadd.s32 $0xFFFFE003, lr  }
0x1b: {  	s9 =	sadd.s32 $0xFFFFFEF7, lr;
	s5 =	simm.s32 $0xFFFFFFFF;
	p2 =	slt.u32 s8, $0xFFFFF086  }
0x1c: {  	p1 =	slt.u32 s9, $0xF7A;
	s5 =	simm.s32 @!p2 $0x0  }
0x1d: {  	s5 =	simm.s32 @p1 $0x1;
	p0 =	seq.s32 s7, s2  }
0x1e: {  	s7 =	smul.u32 @!p0 $0xF7A, s2;
	p2 =	seq.s32 @!p0 s5, $0x0  }
0x1f: {  	s9 =	smul.u32 $0xF7A, s1;
	s8 =	simm.s32 @!p0 $0x1BF5;
	p2 =	por !p2, p0  }
0x20: {  	[sflag:s8] =	ssyncset.s32 @!p0 $0xFFFFF086;
	s6 =	sadd.s32 @!p0 s3, s7;
	s7 =	simm.s32 @!p0 $0x108  }
0x21: {  	s3 =	sadd.s32 s3, s9;
	s6 =	sadd.s32 @!p0 $0x88, s6;
	s7 =	simm.s32 @p2 $0x1082  }
0x22: {  	[simem:s7], [sflag:s8] =	dma.local @!p0 [hbm:s6], $0xF7A  }
0x23: {  	s9 =	sor.u32 $0xD0000000, s2;
	s6 =	simm.s32 $0x108;
	_ =	swait.ge @!p0 [sflag:s8], $0x0  }
0x24: {  	s3 =	sadd.s32 $0x88, s3;
	s6 =	simm.s32 @!p1 $0x1082;
	[sflag:s4] =	ssyncset.s32 $0xFFFFF086  }
0x25: {  	[simem:s6], [sflag:s4] =	dma.local [hbm:s3], $0xF7A  }
0x26: {  	[smem:$0x3F94] =	sst s1;
	(tag) =	ssettag s2;
	_ =	strace s9  }
0x27: {  	s1 =	sld [smem:$0x3FA4]  }
0x28: {  	s2 =	sld [smem:$0x3FA5]  }
0x29: {  	s4 =	sld [smem:$0x3FA7]  }
0x2a: {  	p0 =	seq.s32 s5, $0x0;
	s5 =	sld [smem:$0x3FA8]  }
0x2b: {  	s6 =	sld [smem:$0x3FA9]  }
0x2c: {  	s7 =	sld [smem:$0x3FAA]  }
0x2d: {  	s3 =	simm.s32 $0x108;
	s8 =	sld [smem:$0x3FAB]  }
0x2e: {  	s3 =	simm.s32 @!p0 $0x1082;
	s9 =	sld [smem:$0x3FAC]  }
0x2f: {  	lr =	sadd.s32 s0, s3;
	s0 =	sld [smem:$0x3FA3]  }
0x30: {  	s3 =	sld [smem:$0x3FA6]  }
0x31: {  	[smem:$0x3FAF] =	sst s10  }
0x32: {  	s10 =	sld [smem:$0x3FAD];
	_ =	sdelay $0x3  }
0x33: {  	p0 =	seq.s32 s10, $0x1;
	s10 =	sld [smem:$0x3FAF];
	_ =	sdelay $0x3  }
0x34: {  	[smem:$0x3FAF] =	sst s10  }
0x35: {  	s10 =	sld [smem:$0x3FAE];
	_ =	sdelay $0x3  }
0x36: {  	p1 =	seq.s32 s10, $0x1;
	s10 =	sld [smem:$0x3FAF];
	_ =	sdelay $0x3  }
0x37: {  	[smem:$0x3FAF] =	sst s10  }
0x38: {  	s10 =	sld [smem:$0x3FB0]  }
0x39: {  	_ = 	snop;
	(pc) =	sbr.ind lr, $3  }
0x3a: {  	_ = 	snop  }
0x3b: {  	_ = 	snop  }
0x3c: {  	p2 =	seq.s32 s10, $0x1;
	s10 =	sld [smem:$0x3FAF]  }
0x3d: {  	_ =	shalt  }
0x3e: {  	_ =	shalt  }
0x3f: {  	_ =	shalt  }
0x40: {  	_ =	shalt  }
0x41: {  	_ =	shalt  }
0x42: {  	_ =	shalt  }
0x43: {  	_ =	shalt  }
0x44: {  	_ =	shalt  }
0x45: {  	_ =	shalt  }
0x46: {  	_ =	shalt  }
0x47: {  	_ =	shalt  }
0x48: {  	_ =	shalt  }
0x49: {  	_ =	shalt  }
0x4a: {  	_ =	shalt  }
0x4b: {  	_ =	shalt  }
0x4c: {  	_ =	shalt  }
0x4d: {  	_ =	shalt  }
0x4e: {  	_ =	shalt  }
0x4f: {  	_ =	shalt  }
0x50: {  	_ =	shalt  }
0x51: {  	_ =	shalt  }
0x52: {  	_ =	shalt  }
0x53: {  	_ =	shalt  }
0x54: {  	_ =	shalt  }
0x55: {  	_ =	shalt  }
0x56: {  	_ =	shalt  }
0x57: {  	_ =	shalt  }
0x58: {  	_ =	shalt  }
0x59: {  	_ =	shalt  }
0x5a: {  	_ =	shalt  }
0x5b: {  	_ =	shalt  }
0x5c: {  	_ =	shalt  }
0x5d: {  	_ =	shalt  }
0x5e: {  	_ =	shalt  }
0x5f: {  	_ =	shalt  }
0x60: {  	_ =	shalt  }
0x61: {  	_ =	shalt  }
0x62: {  	_ =	shalt  }
0x63: {  	_ =	shalt  }
0x64: {  	_ =	shalt  }
0x65: {  	_ =	shalt  }
0x66: {  	_ =	shalt  }
0x67: {  	_ =	shalt  }
0x68: {  	_ =	shalt  }
0x69: {  	_ =	shalt  }
0x6a: {  	_ =	shalt  }
0x6b: {  	_ =	shalt  }
0x6c: {  	_ =	shalt  }
0x6d: {  	_ =	shalt  }
0x6e: {  	_ =	shalt  }
0x6f: {  	_ =	shalt  }
0x70: {  	_ =	shalt  }
0x71: {  	_ =	shalt  }
0x72: {  	_ =	shalt  }
0x73: {  	_ =	shalt  }
0x74: {  	_ =	shalt  }
0x75: {  	_ =	shalt  }
0x76: {  	_ =	shalt  }
0x77: {  	_ =	shalt  }
0x78: {  	_ =	shalt  }
0x79: {  	_ =	shalt  }
0x7a: {  	_ =	shalt  }
0x7b: {  	_ =	shalt  }
0x7c: {  	_ =	shalt  }
0x7d: {  	_ =	shalt  }
0x7e: {  	_ =	shalt  }
0x7f: {  	_ =	shalt  }
0x80: {  	_ =	shalt  }
0x81: {  	_ =	shalt  }
0x82: {  	_ =	shalt  }
0x83: {  	_ =	shalt  }
0x84: {  	_ =	shalt  }
0x85: {  	_ =	shalt  }
0x86: {  	_ =	shalt  }
0x87: {  	_ =	shalt  }
.Lfunc_end0:
.L_simem_size_0:
called_computation.1_lowered:
.L_overlay_start_0:
0x88: {  	s2 =	sld [smem:$0x3FD9]  }
0x89: {  	s3 =	sld [smem:$0x3FFE];
	_ =	sdelay $0x1  }
0x8a: {  	s1 =	srdreg.scid  }
0x8b: {  	s0 =	sand.u32 $0x1, s1  }
0x8c: {  	s16 =	sshll.u32 s0, $0xA;
	s2 =	sadd.s32 s3, s2  }
0x8d: {  	s2 =	sadd.s32 s2, s16  }
0x8e: {  	[smem:$0x3FBB] =	sst s2  }
0x8f: {  	_ = 	snop  }
0x90: {  	(tm) =	ssettm $0x1  }
0x91: {  	s17 =	sld [smem:$0x3FFB];
	_ =	sdelay $0x3  }
0x92: {  	_ =	strace s17  }
0x93: {  	s2 =	sld [smem:$0x3FFC];
	_ =	sdelay $0x3  }
0x94: {  	_ =	strace s2  }
0x95: {  	s2 =	sld [smem:$0x3FFD];
	_ =	sdelay $0x3  }
0x96: {  	_ =	strace s2  }
0x97: {  	_ =	strace $0x8FFFFFFF  }
0x98: {  	s18 =	sld [smem:$0x3FDB];
	_ =	sdelay $0x1  }
0x99: {  	s19 =	simm.s32 $_scs_section_size  }
0x9a: {  	s4 =	simm.s32 $_size__tile_overlayer_lowered;
	s5 =	simm.s32 $_tile_overlayer_lowered  }
0x9b: {  	s22 =	simm.s32 $0x1BFF;
	s21 =	sshll.u32 s5, $0x1;
	s2 =	sadd.s32 s19, s18  }
0x9c: {  	s6 =	simm.s32 $0x0;
	s20 =	sshll.u32 s4, $0x1;
	s4 =	sadd.s32 s21, s2  }
0x9d: {  	[timem:s6], [sflag:s22] =	dma.local [hbm:s4], s20  }
0x9e: {  	_ =	swait.ge [sflag:s22], s20  }
0x9f: {  	s3 =	ssub.s32 $0x0, s20;
	[sflag:s22] =	ssyncset.done $0x0  }
0xa0: {  	[sflag:s22] =	ssyncadd.s32 s3;
	_ =	sdelay $0x1  }
0xa1: {  	s23 =	simm.s32 $0x1B8B  }
0xa2: {  	_ =	swait.ge [sflag:s23], $0x1  }
0xa3: {  	[sflag:s23] =	ssyncset.done $0x0  }
0xa4: {  	s25 =	simm.s32 $0x1B8E;
	s24 =	sld [smem:$0x3FFE];
	[sflag:s23] =	ssyncadd.s32 $0xFFFFFFFF  }
0xa5: {  	s26 =	simm.s32 $execute0_lowered;
	[smem:$0x3FD2] =	sst s25  }
0xa6: {  	s4 =	sshll.u32 s26, $0x1;
	_ =	strace $0x80000049;
	[dreg:$0x1] =	wrdreg $0xFFFFFFFF  }
0xa7: {  	s28 =	simm.s32 $_size_execute0_lowered;
	s2 =	sadd.s32 s2, s4;
	[dreg:$0x0] =	wrdreg $0x0  }
0xa8: {  	s4 =	sshll.u32 s28, $0x1;
	[dreg:$0x2] =	wrdreg s2  }
0xa9: {  	[dreg:$0x3] =	wrdreg s4  }
0xaa: {  	[dreg:$0x4] =	wrdreg $0xC0  }
0xab: {  	_ =	task [dreg:s6], $0x5FFFF  }
0xac: {  	[dreg:$0x1] =	wrdreg $0xFFFFFFFF  }
0xad: {  	[dreg:$0x0] =	wrdreg $0x60  }
0xae: {  	[dreg:$0x2] =	wrdreg s24  }
0xaf: {  	[dreg:$0x3] =	wrdreg $0xA0800  }
0xb0: {  	[dreg:$0x4] =	wrdreg $0x9  }
0xb1: {  	_ =	task.clear_ibuf [dreg:s6], $0x5FFFF;
	_ =	strace $0x90000049  }
0xb2: {  	s29 =	simm.s32 $0x9;
	_ =	strace $0x8000004B  }
0xb3: {  	_ =	swait.ge [sflag:s29], $0x1  }
0xb4: {  	[sflag:s29] =	ssyncadd.s32 $0xFFFFFFFF  }
0xb5: {  	_ =	strace $0x9000004B  }
0xb6: {  	_ =	sfence  }
0xb7: {  	s30 =	sld [smem:$0x0];
	_ =	sdelay $0x2  }
0xb8: {  	s31 =	sshll.u32 s1, $0xD;
	s1 =	sshrl.u32 s1, $0x2  }
0xb9: {  	s3 =	sand.u32 $0x4000, s31;
	s1 =	sadd.s32 s1, s30  }
0xba: {  	s0 =	sor.u32 s3, s0;
	s1 =	sshll.u32 s1, $0x11  }
0xbb: {  	s0 =	sor.u32 s1, s0  }
0xbc: {  	s0 =	sadd.s32 $0x8F2B, s0  }
0xbd: {  	[sflag:s0] =	ssyncadd.remote.s32 $0x1  }
0xbe: {  	_ =	sfence.sel $0xFFFF  }
0xbf: {  	[dreg:$0x0] =	wrdreg $0xFFFFFFFF;
	(pc) =	sbr.abs _section_cstart, $3  }
0xc0: {  	[dreg:$0x1] =	wrdreg $0xFFFFFFFF  }
0xc1: {  	_ =	task.clear_ibuf [dreg:s6], $0x2FFFF;
	_ =	strace $0x9FFFFFFF  }
0xc2: {  	(tm) =	ssettm $0x7FFFFFFF  }
0xc3: {  	_ =	shalt  }
tec
execute0_lowered:
.L_overlay_start_1:
0x0: {  	(tag) =	ssettag $0x1  }
0x1: {  	s7 =	rddreg [dreg:$0x0]  }
0x2: {  	s0 =	srdreg.scid;
	s2 =	rddreg [dreg:$0x1];
	s3 =	simm.s32 $0x0  }
0x3: {  	s14 =	simm.s32 $0x4;
	s15 =	simm.s32 $0x2780;
	s16 =	simm.s32 $0x50  }
0x4: {  	s17 =	simm.s32 $0x2880;
	s18 =	simm.s32 $0x5080;
	s19 =	simm.s32 $0x2  }
0x5: {  	s20 =	simm.s32 $0x1;
	s21 =	simm.s32 $0x3;
	s6 =	sand.u32 $0x1, s0  }
0x6: {  	s23 =	simm.s32 $0x0;
	s0 =	stileid.u32;
	s26 =	smul.u32 $0x13C000, s6  }
0x7: {  	[smem:$0x7FF] =	sst s3;
	s1 =	sshll.u32 s6, $0x4;
	s10 =	smul.u32 $0x13C00, s0  }
0x8: {  	s8 =	sshll.u32 s0, $0x7;
	_ =	strace $0x8000004A;
	s28 =	smul.u32 $0x4E200, s0  }
0x9: {  	s6 =	ssub.s32 $0x2, s6;
	s22 =	sshll.u32 s0, $0x6;
	s5 =	sor.u32 s0, s1  }
0xa: {  	s8 =	sand.u32 $0x380, s8;
	s29 =	sshrl.u32 s6, $0x1;
	s1 =	sshrl.u32 s5, $0x3  }
0xb: {  	s5 =	sshll.u32 s5, $0xB;
	s30 =	sshrl.u32 s28, $0x2;
	s31 =	ssub.s32 s6, s29  }
0xc: {  	s6 =	sor.u32 $0x1C02, s22;
	s22 =	sor.u32 $0x1C04, s22;
	s4 =	smul.u32 $0x13C00, s1  }
0xd: {  	s11 =	sadd.s32 s5, s7;
	s5 =	sadd.s32 $0x15800, s7;
	s13 =	sadd.s32 s30, s2  }
.Ltmp0:
0xe: {  	s4 =	sor.u32 s8, s4;
	s8 =	sadd.s32 s10, s26;
	(pc) =	sbr.rel .LBB2_1-.Ltmp0, $4  }
0xf: {  	s10 =	smax.u32 s31, $0x1;
	s9 =	sshrl.u32 s4, $0x3;
	s8 =	sshrl.u32 s8, $0x3  }
0x10: {  	s4 =	sadd.s32 $0x18000, s7;
	s9 =	sadd.s32 s9, s7;
	s12 =	sadd.s32 s8, s7  }
0x11: {  	s8 =	sadd.s32 $0x5800, s11;
	s11 =	sshrl.u32 s13, $0x3;
	s13 =	simm.s32 $0x400  }
0x12: {  	s7 =	sadd.s32 $0x67600, s9;
	s9 =	sadd.s32 $0x71400, s12;
	s12 =	simm.s32 $0x80  }
.LBB2_5:
0x13: {  	_ =	swait.ge [sflag:s19], $0x2800  }
0x14: {  	s23 =	sadd.s32 $0x1, s23;
	[sflag:s19] =	ssyncset.done $0x0  }
0x15: {  	p0 =	sne.s32 s23, s10;
	[sflag:s19] =	ssyncadd.s32 $0xFFFFD800  }
.Ltmp1:
0x16: {  	[bflag:$0x0] =	sbarrier.arrive $0xFFFF;
	(pc) =	sbr.rel @!p0 .LBB2_6-.Ltmp1, $4  }
0x17: {  	[hbm:s9], [sflag:s22] =	dma.local [spmem:s11], $0x2710  }
0x18: {  	_ =	swait.ge [sflag:s14], $0x2710  }
0x19: {  	[sflag:s14] =	ssyncset.done $0x0  }
0x1a: {  	[sflag:s14] =	ssyncadd.s32 $0xFFFFD8F0  }
.LBB2_1:
0x1b: {  	[spmem:s11], [sflag:s6] =	dma.local [hbm:s5], $0x2710  }
0x1c: {  	[tilespmem:s3], [sflag:$0x4] =	stream.strided.gather [hbm4b:s7+s12], $0x2780, s13, s12, $0x38;
	[tilespmem:$0x1D900] =	vst v63  }
0x1d: {  	_ =	swait.ge [sflag:s14], $0x2780  }
0x1e: {  	[sflag:s14] =	ssyncset.done $0x0  }
0x1f: {  	[sflag:s14] =	ssyncadd.s32 $0xFFFFD880  }
0x20: {  	[tilespmem:s15], [sflag:$0x3] =	stream.linear.gather [hbm4b:s8+s3], $0x80, $0x38;
	[tilespmem:$0x1D900] =	vst v63  }
0x21: {  	_ = 	snop  }
0x22: {  	[tilespmem:s17], [sflag:$0x1] =	stream.indirect.gather [hbm4b:s4+s16], $0x80, s3, s16, $0xb8;
	[tilespmem:$0x1D900] =	vst v63  }
0x23: {  	_ = 	snop  }
0x24: {  	[tilespmem:s18], [sflag:$0x1] =	stream.indirect.gather [hbm4b:s4+s16], $0x80, s16, s16, $0xb8;
	[tilespmem:$0x1D900] =	vst v63  }
.Ltmp2:
0x25: {  	_ =	swait.ge [sflag:s19], $0x2710;
	(pc) =	sbr.rel .LBB2_2-.Ltmp2, $4  }
0x26: {  	[sflag:s19] =	ssyncset.done $0x0  }
0x27: {  	[sflag:s19] =	ssyncadd.s32 $0xFFFFD8F0  }
0x28: {  	[bflag:$0x0] =	sbarrier.arrive $0xFFFF  }
0x29: {  	s24 =	simm.s32 $0x0  }
.LBB2_4:
0x2a: {  	s1 =	smul.u32 $0xAB, s24;
	_ =	sdelay $0x1  }
0x2b: {  	s1 =	sshrl.u32 s1, $0x9  }
0x2c: {  	s1 =	sand.u32 $0x7F, s1  }
0x2d: {  	s1 =	smul.u32 $0x3, s1;
	_ =	sdelay $0x1  }
0x2e: {  	_ =	swait.ge [sflag:s20], $0x2800;
	s1 =	ssub.s32 s24, s1  }
0x2f: {  	[sflag:s20] =	ssyncset.done $0x0;
	s1 =	sand.u32 $0xFF, s1  }
0x30: {  	p0 =	slt.u32 s25, $0x7D;
	[sflag:s20] =	ssyncadd.s32 $0xFFFFD800;
	s1 =	smul.u32 $0xA000, s1  }
.Ltmp3:
0x31: {  	_ =	swait.ge [sflag:s21], $0x80;
	(pc) =	sbr.rel @!p0 .LBB2_5-.Ltmp3, $4  }
0x32: {  	s31 =	sshll.u32 s26, $0x7;
	[sflag:s21] =	ssyncset.done $0x0;
	s1 =	sshrl.u32 s1, $0x2  }
0x33: {  	[sflag:s21] =	ssyncadd.s32 $0xFFFFFF80;
	s24 =	sadd.s32 $0x2780, s31;
	s1 =	sadd.s32 $0x2880, s1  }
0x34: {  	[spmem:s2] =	stream.indirect.scatter.add.f32 [tilespmem:s1], [sflag:$0x2], $0x80, s24, s16, $0xb8;
	[tilespmem:$0x1D900] =	vst v63  }
0x35: {  	s24 =	smov.u32 s25  }
.LBB2_2:
0x36: {  	p1 =	seq.s32 s24, $0x0  }
0x37: {  	p0 =	seq.s32 @!p1 s24, $0x7C  }
0x38: {  	p0 =	por p1, !p0  }
.Ltmp4:
0x39: {  	_ = 	snop;
	(pc) =	sbr.rel @!p0 .LBB2_4-.Ltmp4, $4  }
0x3a: {  	s25 =	simm.s32 @!p1 $0x2  }
0x3b: {  	_ =	swait.ge @!p1 [sflag:s25], $0x2800  }
0x3c: {  	[sflag:s25] =	ssyncset.done @!p1 $0x0  }
0x3d: {  	s26 =	sand.u32 $0x1, s24;
	[sflag:s25] =	ssyncadd.s32 @!p1 $0xFFFFD800;
	s25 =	simm.s32 @!p1 $0x7D  }
0x3e: {  	p0 =	sgt.u32 s24, $0x7A  }
0x3f: {  	s25 =	sadd.s32 @!p1 $0x1, s24;
	s28 =	sadd.s32 @!p0 $0x2, s24  }
0x40: {  	s25 =	simm.s32 @p1 $0x1;
	s29 =	smul.u32 @!p0 $0xAB, s28  }
0x41: {  	s30 =	sshll.u32 s25, $0x4  }
0x42: {  	s1 =	sshll.u32 s26, $0x7;
	s31 =	sand.u32 $0xF80, s30;
	s29 =	sshrl.u32 @!p0 s29, $0x9  }
0x43: {  	s30 =	sand.u32 $0x70, s30;
	s31 =	sadd.s32 s31, s8;
	s29 =	sand.u32 @!p0 $0x7F, s29  }
0x44: {  	s1 =	ssub.s32 $0x2800, s1;
	s30 =	sadd.s32 s30, s31;
	s29 =	smul.u32 @!p0 $0x3, s29  }
0x45: {  	[tilespmem:s1], [sflag:$0x3] =	stream.linear.gather [hbm4b:s30+s3], $0x80, $0x38;
	[tilespmem:$0x1D900] =	vst v63  }
0x46: {  	s1 =	ssub.s32 @!p0 s28, s29  }
0x47: {  	s1 =	sand.u32 @!p0 $0xFF, s1  }
0x48: {  	s1 =	smul.u32 @!p0 $0xA000, s1  }
.Ltmp5:
0x49: {  	_ = 	snop;
	(pc) =	sbr.rel .LBB2_4-.Ltmp5, $4  }
0x4a: {  	s28 =	smul.u32 @!p0 $0x140, s28  }
0x4b: {  	s1 =	sshrl.u32 @!p0 s1, $0x2  }
0x4c: {  	s29 =	simm.s32 @!p0 $0x50;
	s28 =	sshra.s32 @!p0 s28, $0x2;
	s1 =	sadd.s32 @!p0 $0x2880, s1  }
0x4d: {  	[tilespmem:s1], [sflag:$0x1] =	stream.indirect.gather @!p0 [hbm4b:s4+s29], $0x80, s28, s29, $0xb8;
	[tilespmem:$0x1D900] =	vst v63  }
.LBB2_6:
0x4e: {  	_ =	sfence.sel $0x180000  }
0x4f: {  	[bflag:$0x0] =	sbarrier.arrive $0xFFFF  }
0x50: {  	_ =	strace $0x9000004A  }
0x51: {  	[bflag:$0x2] =	sbarrier.arrive $0xFFFF  }
0x52: {  	p0 =	sne.s32 s0, $0x0;
	s0 =	rddreg [dreg:$0x2]  }
0x53: {  	s0 =	sadd.s32 @!p0 $0x100000, s0  }
0x54: {  	[sflag:s0] =	ssyncadd.tile.s32 @!p0 $0x1;
	_ =	shalt  }
.Lfunc_end2:
_tile_overlayer_lowered:
.L_overlay_start_2:
0x55: {  	(tag) =	ssettag $0x2  }
0x56: {  	s0 =	rddreg [dreg:$0x0];
	s2 =	stileid.u32  }
0x57: {  	s1 =	rddreg [dreg:$0x1];
	p0 =	sne.s32 s2, $0x0  }
0x58: {  	s3 =	rddreg [dreg:$0x2];
	[bflag:$0x3] =	sbarrier.arrive $0xFFFF;
	s2 =	simm.s32 @!p0 $0x1C04  }
0x59: {  	[timem:s3], [sflag:s2] =	dma.local @!p0 [hbm:s0], s1  }
0x5a: {  	s0 =	simm.s32 @!p0 $0x4  }
0x5b: {  	_ =	swait.ge @!p0 [sflag:s0], s1  }
0x5c: {  	s1 =	ssub.s32 @!p0 $0x0, s1;
	[sflag:s0] =	ssyncset.done @!p0 $0x0  }
0x5d: {  	[sflag:s0] =	ssyncadd.s32 @!p0 s1  }
0x5e: {  	[bflag:$0x3] =	sbarrier.arrive $0xFFFF  }
0x5f: {  	_ =	shalt  }

// kernel: kernel.16.cloned.1.call-start
scs
__scs_entry_jumppad:
0x0: {  	(pc) =	sbr.rel $0x88, $3  }
0x1: {  	(tag) =	ssettag $0x0;
	lr =	simm.s32 $0x1  }
0x2: {  	[smem:$0x3F94] =	sst lr;
	_ =	strace $0xD0000000  }
0x3: {  	_ = 	snop  }
0x4: {  	_ = 	snop  }
0x5: {  	_ = 	snop  }
0x6: {  	_ = 	snop  }
0x7: {  	_ = 	snop  }
__scs_overlays_trampoline_lowered:
0x8: {  	[smem:$0x3FA3] =	sst s0  }
0x9: {  	[smem:$0x3FA4] =	sst s1  }
0xa: {  	[smem:$0x3FA5] =	sst s2  }
0xb: {  	[smem:$0x3FA6] =	sst s3  }
0xc: {  	[smem:$0x3FA7] =	sst s4  }
0xd: {  	[smem:$0x3FA8] =	sst s5  }
0xe: {  	[smem:$0x3FA9] =	sst s6  }
0xf: {  	[smem:$0x3FAA] =	sst s7  }
0x10: {  	[smem:$0x3FAB] =	sst s8  }
0x11: {  	[smem:$0x3FAC] =	sst s9;
	s0 =	simm.s32 @!p0 $0x0  }
0x12: {  	s1 =	sld [smem:$0x3F92];
	s0 =	simm.s32 @p0 $0x1  }
0x13: {  	[smem:$0x3FAD] =	sst s0;
	s0 =	simm.s32 @!p1 $0x0  }
0x14: {  	s2 =	sld [smem:$0x3F91];
	s0 =	simm.s32 @p1 $0x1  }
0x15: {  	[smem:$0x3FAE] =	sst s0;
	s0 =	simm.s32 @!p2 $0x0  }
0x16: {  	s3 =	sld [smem:$0x3FDB];
	s0 =	simm.s32 @p2 $0x1  }
0x17: {  	s4 =	simm.s32 $0x1BF5;
	[smem:$0x3FB0] =	sst s0  }
0x18: {  	s0 =	sld [smem:$0x3F93];
	_ =	swait.ge [sflag:s4], $0x0  }
0x19: {  	s7 =	sld [smem:$0x3F94]  }
0x1a: {  	s8 =	sadd.s32 $0xFFFFE003, lr  }
0x1b: {  	s9 =	sadd.s32 $0xFFFFFEF7, lr;
	s5 =	simm.s32 $0xFFFFFFFF;
	p2 =	slt.u32 s8, $0xFFFFF086  }
0x1c: {  	p1 =	slt.u32 s9, $0xF7A;
	s5 =	simm.s32 @!p2 $0x0  }
0x1d: {  	s5 =	simm.s32 @p1 $0x1;
	p0 =	seq.s32 s7, s2  }
0x1e: {  	s7 =	smul.u32 @!p0 $0xF7A, s2;
	p2 =	seq.s32 @!p0 s5, $0x0  }
0x1f: {  	s9 =	smul.u32 $0xF7A, s1;
	s8 =	simm.s32 @!p0 $0x1BF5;
	p2 =	por !p2, p0  }
0x20: {  	[sflag:s8] =	ssyncset.s32 @!p0 $0xFFFFF086;
	s6 =	sadd.s32 @!p0 s3, s7;
	s7 =	simm.s32 @!p0 $0x108  }
0x21: {  	s3 =	sadd.s32 s3, s9;
	s6 =	sadd.s32 @!p0 $0x88, s6;
	s7 =	simm.s32 @p2 $0x1082  }
0x22: {  	[simem:s7], [sflag:s8] =	dma.local @!p0 [hbm:s6], $0xF7A  }
0x23: {  	s9 =	sor.u32 $0xD0000000, s2;
	s6 =	simm.s32 $0x108;
	_ =	swait.ge @!p0 [sflag:s8], $0x0  }
0x24: {  	s3 =	sadd.s32 $0x88, s3;
	s6 =	simm.s32 @!p1 $0x1082;
	[sflag:s4] =	ssyncset.s32 $0xFFFFF086  }
0x25: {  	[simem:s6], [sflag:s4] =	dma.local [hbm:s3], $0xF7A  }
0x26: {  	[smem:$0x3F94] =	sst s1;
	(tag) =	ssettag s2;
	_ =	strace s9  }
0x27: {  	s1 =	sld [smem:$0x3FA4]  }
0x28: {  	s2 =	sld [smem:$0x3FA5]  }
0x29: {  	s4 =	sld [smem:$0x3FA7]  }
0x2a: {  	p0 =	seq.s32 s5, $0x0;
	s5 =	sld [smem:$0x3FA8]  }
0x2b: {  	s6 =	sld [smem:$0x3FA9]  }
0x2c: {  	s7 =	sld [smem:$0x3FAA]  }
0x2d: {  	s3 =	simm.s32 $0x108;
	s8 =	sld [smem:$0x3FAB]  }
0x2e: {  	s3 =	simm.s32 @!p0 $0x1082;
	s9 =	sld [smem:$0x3FAC]  }
0x2f: {  	lr =	sadd.s32 s0, s3;
	s0 =	sld [smem:$0x3FA3]  }
0x30: {  	s3 =	sld [smem:$0x3FA6]  }
0x31: {  	[smem:$0x3FAF] =	sst s10  }
0x32: {  	s10 =	sld [smem:$0x3FAD];
	_ =	sdelay $0x3  }
0x33: {  	p0 =	seq.s32 s10, $0x1;
	s10 =	sld [smem:$0x3FAF];
	_ =	sdelay $0x3  }
0x34: {  	[smem:$0x3FAF] =	sst s10  }
0x35: {  	s10 =	sld [smem:$0x3FAE];
	_ =	sdelay $0x3  }
0x36: {  	p1 =	seq.s32 s10, $0x1;
	s10 =	sld [smem:$0x3FAF];
	_ =	sdelay $0x3  }
0x37: {  	[smem:$0x3FAF] =	sst s10  }
0x38: {  	s10 =	sld [smem:$0x3FB0]  }
0x39: {  	_ = 	snop;
	(pc) =	sbr.ind lr, $3  }
0x3a: {  	_ = 	snop  }
0x3b: {  	_ = 	snop  }
0x3c: {  	p2 =	seq.s32 s10, $0x1;
	s10 =	sld [smem:$0x3FAF]  }
0x3d: {  	_ =	shalt  }
0x3e: {  	_ =	shalt  }
0x3f: {  	_ =	shalt  }
0x40: {  	_ =	shalt  }
0x41: {  	_ =	shalt  }
0x42: {  	_ =	shalt  }
0x43: {  	_ =	shalt  }
0x44: {  	_ =	shalt  }
0x45: {  	_ =	shalt  }
0x46: {  	_ =	shalt  }
0x47: {  	_ =	shalt  }
0x48: {  	_ =	shalt  }
0x49: {  	_ =	shalt  }
0x4a: {  	_ =	shalt  }
0x4b: {  	_ =	shalt  }
0x4c: {  	_ =	shalt  }
0x4d: {  	_ =	shalt  }
0x4e: {  	_ =	shalt  }
0x4f: {  	_ =	shalt  }
0x50: {  	_ =	shalt  }
0x51: {  	_ =	shalt  }
0x52: {  	_ =	shalt  }
0x53: {  	_ =	shalt  }
0x54: {  	_ =	shalt  }
0x55: {  	_ =	shalt  }
0x56: {  	_ =	shalt  }
0x57: {  	_ =	shalt  }
0x58: {  	_ =	shalt  }
0x59: {  	_ =	shalt  }
0x5a: {  	_ =	shalt  }
0x5b: {  	_ =	shalt  }
0x5c: {  	_ =	shalt  }
0x5d: {  	_ =	shalt  }
0x5e: {  	_ =	shalt  }
0x5f: {  	_ =	shalt  }
0x60: {  	_ =	shalt  }
0x61: {  	_ =	shalt  }
0x62: {  	_ =	shalt  }
0x63: {  	_ =	shalt  }
0x64: {  	_ =	shalt  }
0x65: {  	_ =	shalt  }
0x66: {  	_ =	shalt  }
0x67: {  	_ =	shalt  }
0x68: {  	_ =	shalt  }
0x69: {  	_ =	shalt  }
0x6a: {  	_ =	shalt  }
0x6b: {  	_ =	shalt  }
0x6c: {  	_ =	shalt  }
0x6d: {  	_ =	shalt  }
0x6e: {  	_ =	shalt  }
0x6f: {  	_ =	shalt  }
0x70: {  	_ =	shalt  }
0x71: {  	_ =	shalt  }
0x72: {  	_ =	shalt  }
0x73: {  	_ =	shalt  }
0x74: {  	_ =	shalt  }
0x75: {  	_ =	shalt  }
0x76: {  	_ =	shalt  }
0x77: {  	_ =	shalt  }
0x78: {  	_ =	shalt  }
0x79: {  	_ =	shalt  }
0x7a: {  	_ =	shalt  }
0x7b: {  	_ =	shalt  }
0x7c: {  	_ =	shalt  }
0x7d: {  	_ =	shalt  }
0x7e: {  	_ =	shalt  }
0x7f: {  	_ =	shalt  }
0x80: {  	_ =	shalt  }
0x81: {  	_ =	shalt  }
0x82: {  	_ =	shalt  }
0x83: {  	_ =	shalt  }
0x84: {  	_ =	shalt  }
0x85: {  	_ =	shalt  }
0x86: {  	_ =	shalt  }
0x87: {  	_ =	shalt  }
.Lfunc_end0:
.L_simem_size_0:
called_computation.2_lowered:
.L_overlay_start_0:
0x88: {  	s2 =	sld [smem:$0x3FD9]  }
0x89: {  	s3 =	sld [smem:$0x3FFE];
	_ =	sdelay $0x1  }
0x8a: {  	s1 =	srdreg.scid  }
0x8b: {  	s0 =	sand.u32 $0x1, s1  }
0x8c: {  	s16 =	sshll.u32 s0, $0xA;
	s2 =	sadd.s32 s3, s2  }
0x8d: {  	s2 =	sadd.s32 s2, s16  }
0x8e: {  	[smem:$0x3FBB] =	sst s2  }
0x8f: {  	_ = 	snop  }
0x90: {  	(tm) =	ssettm $0x1  }
0x91: {  	s17 =	sld [smem:$0x3FFB];
	_ =	sdelay $0x3  }
0x92: {  	_ =	strace s17  }
0x93: {  	s2 =	sld [smem:$0x3FFC];
	_ =	sdelay $0x3  }
0x94: {  	_ =	strace s2  }
0x95: {  	s2 =	sld [smem:$0x3FFD];
	_ =	sdelay $0x3  }
0x96: {  	_ =	strace s2  }
0x97: {  	_ =	strace $0x8FFFFFFF  }
0x98: {  	s18 =	sld [smem:$0x3FDB];
	_ =	sdelay $0x1  }
0x99: {  	s19 =	simm.s32 $_scs_section_size  }
0x9a: {  	s4 =	simm.s32 $_size__tile_overlayer_lowered;
	s5 =	simm.s32 $_tile_overlayer_lowered  }
0x9b: {  	s22 =	simm.s32 $0x1BFF;
	s21 =	sshll.u32 s5, $0x1;
	s2 =	sadd.s32 s19, s18  }
0x9c: {  	s6 =	simm.s32 $0x0;
	s20 =	sshll.u32 s4, $0x1;
	s4 =	sadd.s32 s21, s2  }
0x9d: {  	[timem:s6], [sflag:s22] =	dma.local [hbm:s4], s20  }
0x9e: {  	_ =	swait.ge [sflag:s22], s20  }
0x9f: {  	s3 =	ssub.s32 $0x0, s20;
	[sflag:s22] =	ssyncset.done $0x0  }
0xa0: {  	[sflag:s22] =	ssyncadd.s32 s3;
	_ =	sdelay $0x1  }
0xa1: {  	s23 =	simm.s32 $0x1B8B  }
0xa2: {  	_ =	swait.ge [sflag:s23], $0x1  }
0xa3: {  	[sflag:s23] =	ssyncset.done $0x0  }
0xa4: {  	s25 =	simm.s32 $0x1B8E;
	s24 =	sld [smem:$0x3FFE];
	[sflag:s23] =	ssyncadd.s32 $0xFFFFFFFF  }
0xa5: {  	s26 =	simm.s32 $execute0_lowered;
	[smem:$0x3FD2] =	sst s25  }
0xa6: {  	s4 =	sshll.u32 s26, $0x1;
	_ =	strace $0x8000004C;
	[dreg:$0x1] =	wrdreg $0xFFFFFFFF  }
0xa7: {  	s28 =	simm.s32 $_size_execute0_lowered;
	s2 =	sadd.s32 s2, s4;
	[dreg:$0x0] =	wrdreg $0x0  }
0xa8: {  	s4 =	sshll.u32 s28, $0x1;
	[dreg:$0x2] =	wrdreg s2  }
0xa9: {  	[dreg:$0x3] =	wrdreg s4  }
0xaa: {  	[dreg:$0x4] =	wrdreg $0xC0  }
0xab: {  	_ =	task [dreg:s6], $0x5FFFF  }
0xac: {  	[dreg:$0x1] =	wrdreg $0xFFFFFFFF  }
0xad: {  	[dreg:$0x0] =	wrdreg $0x60  }
0xae: {  	[dreg:$0x2] =	wrdreg s24  }
0xaf: {  	[dreg:$0x3] =	wrdreg $0xA0800  }
0xb0: {  	[dreg:$0x4] =	wrdreg $0x9  }
0xb1: {  	_ =	task.clear_ibuf [dreg:s6], $0x5FFFF;
	_ =	strace $0x9000004C  }
0xb2: {  	s29 =	simm.s32 $0x9;
	_ =	strace $0x8000004E  }
0xb3: {  	_ =	swait.ge [sflag:s29], $0x1  }
0xb4: {  	[sflag:s29] =	ssyncadd.s32 $0xFFFFFFFF  }
0xb5: {  	_ =	strace $0x9000004E  }
0xb6: {  	_ =	sfence  }
0xb7: {  	s30 =	sld [smem:$0x0];
	_ =	sdelay $0x2  }
0xb8: {  	s31 =	sshll.u32 s1, $0xD;
	s1 =	sshrl.u32 s1, $0x2  }
0xb9: {  	s3 =	sand.u32 $0x4000, s31;
	s1 =	sadd.s32 s1, s30  }
0xba: {  	s0 =	sor.u32 s3, s0;
	s1 =	sshll.u32 s1, $0x11  }
0xbb: {  	s0 =	sor.u32 s1, s0  }
0xbc: {  	s0 =	sadd.s32 $0x8F2B, s0  }
0xbd: {  	[sflag:s0] =	ssyncadd.remote.s32 $0x1  }
0xbe: {  	_ =	sfence.sel $0xFFFF  }
0xbf: {  	[dreg:$0x0] =	wrdreg $0xFFFFFFFF;
	(pc) =	sbr.abs _section_cstart, $3  }
0xc0: {  	[dreg:$0x1] =	wrdreg $0xFFFFFFFF  }
0xc1: {  	_ =	task.clear_ibuf [dreg:s6], $0x2FFFF;
	_ =	strace $0x9FFFFFFF  }
0xc2: {  	(tm) =	ssettm $0x7FFFFFFF  }
0xc3: {  	_ =	shalt  }
tec
execute0_lowered:
.L_overlay_start_1:
0x0: {  	(tag) =	ssettag $0x1  }
0x1: {  	s7 =	rddreg [dreg:$0x0]  }
0x2: {  	s0 =	srdreg.scid;
	s2 =	rddreg [dreg:$0x1];
	s3 =	simm.s32 $0x0  }
0x3: {  	s14 =	simm.s32 $0x4;
	s15 =	simm.s32 $0x2780;
	s16 =	simm.s32 $0x50  }
0x4: {  	s17 =	simm.s32 $0x2880;
	s18 =	simm.s32 $0x5080;
	s19 =	simm.s32 $0x2  }
0x5: {  	s20 =	simm.s32 $0x1;
	s21 =	simm.s32 $0x3;
	s6 =	sand.u32 $0x1, s0  }
0x6: {  	s23 =	simm.s32 $0x0;
	s0 =	stileid.u32;
	s26 =	smul.u32 $0x13C000, s6  }
0x7: {  	[smem:$0x7FF] =	sst s3;
	s1 =	sshll.u32 s6, $0x4;
	s10 =	smul.u32 $0x13C00, s0  }
0x8: {  	s8 =	sshll.u32 s0, $0x7;
	_ =	strace $0x8000004D;
	s28 =	smul.u32 $0x4E200, s0  }
0x9: {  	s6 =	ssub.s32 $0x2, s6;
	s22 =	sshll.u32 s0, $0x6;
	s5 =	sor.u32 s0, s1  }
0xa: {  	s8 =	sand.u32 $0x380, s8;
	s29 =	sshrl.u32 s6, $0x1;
	s1 =	sshrl.u32 s5, $0x3  }
0xb: {  	s5 =	sshll.u32 s5, $0xB;
	s30 =	sshrl.u32 s28, $0x2;
	s31 =	ssub.s32 s6, s29  }
0xc: {  	s6 =	sor.u32 $0x1C02, s22;
	s22 =	sor.u32 $0x1C04, s22;
	s4 =	smul.u32 $0x13C00, s1  }
0xd: {  	s11 =	sadd.s32 s5, s7;
	s5 =	sadd.s32 $0x15800, s7;
	s13 =	sadd.s32 s30, s2  }
.Ltmp0:
0xe: {  	s4 =	sor.u32 s8, s4;
	s8 =	sadd.s32 s10, s26;
	(pc) =	sbr.rel .LBB2_1-.Ltmp0, $4  }
0xf: {  	s10 =	smax.u32 s31, $0x1;
	s9 =	sshrl.u32 s4, $0x3;
	s8 =	sshrl.u32 s8, $0x3  }
0x10: {  	s4 =	sadd.s32 $0x18000, s7;
	s9 =	sadd.s32 s9, s7;
	s12 =	sadd.s32 s8, s7  }
0x11: {  	s8 =	sadd.s32 $0x5800, s11;
	s11 =	sshrl.u32 s13, $0x3;
	s13 =	simm.s32 $0x400  }
0x12: {  	s7 =	sadd.s32 $0x67600, s9;
	s9 =	sadd.s32 $0x71400, s12;
	s12 =	simm.s32 $0x80  }
.LBB2_5:
0x13: {  	_ =	swait.ge [sflag:s19], $0x2800  }
0x14: {  	s23 =	sadd.s32 $0x1, s23;
	[sflag:s19] =	ssyncset.done $0x0  }
0x15: {  	p0 =	sne.s32 s23, s10;
	[sflag:s19] =	ssyncadd.s32 $0xFFFFD800  }
.Ltmp1:
0x16: {  	[bflag:$0x0] =	sbarrier.arrive $0xFFFF;
	(pc) =	sbr.rel @!p0 .LBB2_6-.Ltmp1, $4  }
0x17: {  	[hbm:s9], [sflag:s22] =	dma.local [spmem:s11], $0x2710  }
0x18: {  	_ =	swait.ge [sflag:s14], $0x2710  }
0x19: {  	[sflag:s14] =	ssyncset.done $0x0  }
0x1a: {  	[sflag:s14] =	ssyncadd.s32 $0xFFFFD8F0  }
.LBB2_1:
0x1b: {  	[spmem:s11], [sflag:s6] =	dma.local [hbm:s5], $0x2710  }
0x1c: {  	[tilespmem:s3], [sflag:$0x4] =	stream.strided.gather [hbm4b:s7+s12], $0x2780, s13, s12, $0x38;
	[tilespmem:$0x1D900] =	vst v63  }
0x1d: {  	_ =	swait.ge [sflag:s14], $0x2780  }
0x1e: {  	[sflag:s14] =	ssyncset.done $0x0  }
0x1f: {  	[sflag:s14] =	ssyncadd.s32 $0xFFFFD880  }
0x20: {  	[tilespmem:s15], [sflag:$0x3] =	stream.linear.gather [hbm4b:s8+s3], $0x80, $0x38;
	[tilespmem:$0x1D900] =	vst v63  }
0x21: {  	_ = 	snop  }
0x22: {  	[tilespmem:s17], [sflag:$0x1] =	stream.indirect.gather [hbm4b:s4+s16], $0x80, s3, s16, $0xb8;
	[tilespmem:$0x1D900] =	vst v63  }
0x23: {  	_ = 	snop  }
0x24: {  	[tilespmem:s18], [sflag:$0x1] =	stream.indirect.gather [hbm4b:s4+s16], $0x80, s16, s16, $0xb8;
	[tilespmem:$0x1D900] =	vst v63  }
.Ltmp2:
0x25: {  	_ =	swait.ge [sflag:s19], $0x2710;
	(pc) =	sbr.rel .LBB2_2-.Ltmp2, $4  }
0x26: {  	[sflag:s19] =	ssyncset.done $0x0  }
0x27: {  	[sflag:s19] =	ssyncadd.s32 $0xFFFFD8F0  }
0x28: {  	[bflag:$0x0] =	sbarrier.arrive $0xFFFF  }
0x29: {  	s24 =	simm.s32 $0x0  }
.LBB2_4:
0x2a: {  	s1 =	smul.u32 $0xAB, s24;
	_ =	sdelay $0x1  }
0x2b: {  	s1 =	sshrl.u32 s1, $0x9  }
0x2c: {  	s1 =	sand.u32 $0x7F, s1  }
0x2d: {  	s1 =	smul.u32 $0x3, s1;
	_ =	sdelay $0x1  }
0x2e: {  	_ =	swait.ge [sflag:s20], $0x2800;
	s1 =	ssub.s32 s24, s1  }
0x2f: {  	[sflag:s20] =	ssyncset.done $0x0;
	s1 =	sand.u32 $0xFF, s1  }
0x30: {  	p0 =	slt.u32 s25, $0x7D;
	[sflag:s20] =	ssyncadd.s32 $0xFFFFD800;
	s1 =	smul.u32 $0xA000, s1  }
.Ltmp3:
0x31: {  	_ =	swait.ge [sflag:s21], $0x80;
	(pc) =	sbr.rel @!p0 .LBB2_5-.Ltmp3, $4  }
0x32: {  	s31 =	sshll.u32 s26, $0x7;
	[sflag:s21] =	ssyncset.done $0x0;
	s1 =	sshrl.u32 s1, $0x2  }
0x33: {  	[sflag:s21] =	ssyncadd.s32 $0xFFFFFF80;
	s24 =	sadd.s32 $0x2780, s31;
	s1 =	sadd.s32 $0x2880, s1  }
0x34: {  	[spmem:s2] =	stream.indirect.scatter.add.f32 [tilespmem:s1], [sflag:$0x2], $0x80, s24, s16, $0xb8;
	[tilespmem:$0x1D900] =	vst v63  }
0x35: {  	s24 =	smov.u32 s25  }
.LBB2_2:
0x36: {  	p1 =	seq.s32 s24, $0x0  }
0x37: {  	p0 =	seq.s32 @!p1 s24, $0x7C  }
0x38: {  	p0 =	por p1, !p0  }
.Ltmp4:
0x39: {  	_ = 	snop;
	(pc) =	sbr.rel @!p0 .LBB2_4-.Ltmp4, $4  }
0x3a: {  	s25 =	simm.s32 @!p1 $0x2  }
0x3b: {  	_ =	swait.ge @!p1 [sflag:s25], $0x2800  }
0x3c: {  	[sflag:s25] =	ssyncset.done @!p1 $0x0  }
0x3d: {  	s26 =	sand.u32 $0x1, s24;
	[sflag:s25] =	ssyncadd.s32 @!p1 $0xFFFFD800;
	s25 =	simm.s32 @!p1 $0x7D  }
0x3e: {  	p0 =	sgt.u32 s24, $0x7A  }
0x3f: {  	s25 =	sadd.s32 @!p1 $0x1, s24;
	s28 =	sadd.s32 @!p0 $0x2, s24  }
0x40: {  	s25 =	simm.s32 @p1 $0x1;
	s29 =	smul.u32 @!p0 $0xAB, s28  }
0x41: {  	s30 =	sshll.u32 s25, $0x4  }
0x42: {  	s1 =	sshll.u32 s26, $0x7;
	s31 =	sand.u32 $0xF80, s30;
	s29 =	sshrl.u32 @!p0 s29, $0x9  }
0x43: {  	s30 =	sand.u32 $0x70, s30;
	s31 =	sadd.s32 s31, s8;
	s29 =	sand.u32 @!p0 $0x7F, s29  }
0x44: {  	s1 =	ssub.s32 $0x2800, s1;
	s30 =	sadd.s32 s30, s31;
	s29 =	smul.u32 @!p0 $0x3, s29  }
0x45: {  	[tilespmem:s1], [sflag:$0x3] =	stream.linear.gather [hbm4b:s30+s3], $0x80, $0x38;
	[tilespmem:$0x1D900] =	vst v63  }
0x46: {  	s1 =	ssub.s32 @!p0 s28, s29  }
0x47: {  	s1 =	sand.u32 @!p0 $0xFF, s1  }
0x48: {  	s1 =	smul.u32 @!p0 $0xA000, s1  }
.Ltmp5:
0x49: {  	_ = 	snop;
	(pc) =	sbr.rel .LBB2_4-.Ltmp5, $4  }
0x4a: {  	s28 =	smul.u32 @!p0 $0x140, s28  }
0x4b: {  	s1 =	sshrl.u32 @!p0 s1, $0x2  }
0x4c: {  	s29 =	simm.s32 @!p0 $0x50;
	s28 =	sshra.s32 @!p0 s28, $0x2;
	s1 =	sadd.s32 @!p0 $0x2880, s1  }
0x4d: {  	[tilespmem:s1], [sflag:$0x1] =	stream.indirect.gather @!p0 [hbm4b:s4+s29], $0x80, s28, s29, $0xb8;
	[tilespmem:$0x1D900] =	vst v63  }
.LBB2_6:
0x4e: {  	_ =	sfence.sel $0x180000  }
0x4f: {  	[bflag:$0x0] =	sbarrier.arrive $0xFFFF  }
0x50: {  	_ =	strace $0x9000004D  }
0x51: {  	[bflag:$0x2] =	sbarrier.arrive $0xFFFF  }
0x52: {  	p0 =	sne.s32 s0, $0x0;
	s0 =	rddreg [dreg:$0x2]  }
0x53: {  	s0 =	sadd.s32 @!p0 $0x100000, s0  }
0x54: {  	[sflag:s0] =	ssyncadd.tile.s32 @!p0 $0x1;
	_ =	shalt  }
.Lfunc_end2:
_tile_overlayer_lowered:
.L_overlay_start_2:
0x55: {  	(tag) =	ssettag $0x2  }
0x56: {  	s0 =	rddreg [dreg:$0x0];
	s2 =	stileid.u32  }
0x57: {  	s1 =	rddreg [dreg:$0x1];
	p0 =	sne.s32 s2, $0x0  }
0x58: {  	s3 =	rddreg [dreg:$0x2];
	[bflag:$0x3] =	sbarrier.arrive $0xFFFF;
	s2 =	simm.s32 @!p0 $0x1C04  }
0x59: {  	[timem:s3], [sflag:s2] =	dma.local @!p0 [hbm:s0], s1  }
0x5a: {  	s0 =	simm.s32 @!p0 $0x4  }
0x5b: {  	_ =	swait.ge @!p0 [sflag:s0], s1  }
0x5c: {  	s1 =	ssub.s32 @!p0 $0x0, s1;
	[sflag:s0] =	ssyncset.done @!p0 $0x0  }
0x5d: {  	[sflag:s0] =	ssyncadd.s32 @!p0 s1  }
0x5e: {  	[bflag:$0x3] =	sbarrier.arrive $0xFFFF  }
0x5f: {  	_ =	shalt  }

// kernel: kernel.19.cloned.1.call-start
scs
__scs_entry_jumppad:
0x0: {  	(pc) =	sbr.rel $0x88, $3  }
0x1: {  	(tag) =	ssettag $0x0;
	lr =	simm.s32 $0x1  }
0x2: {  	[smem:$0x3F94] =	sst lr;
	_ =	strace $0xD0000000  }
0x3: {  	_ = 	snop  }
0x4: {  	_ = 	snop  }
0x5: {  	_ = 	snop  }
0x6: {  	_ = 	snop  }
0x7: {  	_ = 	snop  }
__scs_overlays_trampoline_lowered:
0x8: {  	[smem:$0x3FA3] =	sst s0  }
0x9: {  	[smem:$0x3FA4] =	sst s1  }
0xa: {  	[smem:$0x3FA5] =	sst s2  }
0xb: {  	[smem:$0x3FA6] =	sst s3  }
0xc: {  	[smem:$0x3FA7] =	sst s4  }
0xd: {  	[smem:$0x3FA8] =	sst s5  }
0xe: {  	[smem:$0x3FA9] =	sst s6  }
0xf: {  	[smem:$0x3FAA] =	sst s7  }
0x10: {  	[smem:$0x3FAB] =	sst s8  }
0x11: {  	[smem:$0x3FAC] =	sst s9;
	s0 =	simm.s32 @!p0 $0x0  }
0x12: {  	s1 =	sld [smem:$0x3F92];
	s0 =	simm.s32 @p0 $0x1  }
0x13: {  	[smem:$0x3FAD] =	sst s0;
	s0 =	simm.s32 @!p1 $0x0  }
0x14: {  	s2 =	sld [smem:$0x3F91];
	s0 =	simm.s32 @p1 $0x1  }
0x15: {  	[smem:$0x3FAE] =	sst s0;
	s0 =	simm.s32 @!p2 $0x0  }
0x16: {  	s3 =	sld [smem:$0x3FDB];
	s0 =	simm.s32 @p2 $0x1  }
0x17: {  	s4 =	simm.s32 $0x1BF5;
	[smem:$0x3FB0] =	sst s0  }
0x18: {  	s0 =	sld [smem:$0x3F93];
	_ =	swait.ge [sflag:s4], $0x0  }
0x19: {  	s7 =	sld [smem:$0x3F94]  }
0x1a: {  	s8 =	sadd.s32 $0xFFFFE003, lr  }
0x1b: {  	s9 =	sadd.s32 $0xFFFFFEF7, lr;
	s5 =	simm.s32 $0xFFFFFFFF;
	p2 =	slt.u32 s8, $0xFFFFF086  }
0x1c: {  	p1 =	slt.u32 s9, $0xF7A;
	s5 =	simm.s32 @!p2 $0x0  }
0x1d: {  	s5 =	simm.s32 @p1 $0x1;
	p0 =	seq.s32 s7, s2  }
0x1e: {  	s7 =	smul.u32 @!p0 $0xF7A, s2;
	p2 =	seq.s32 @!p0 s5, $0x0  }
0x1f: {  	s9 =	smul.u32 $0xF7A, s1;
	s8 =	simm.s32 @!p0 $0x1BF5;
	p2 =	por !p2, p0  }
0x20: {  	[sflag:s8] =	ssyncset.s32 @!p0 $0xFFFFF086;
	s6 =	sadd.s32 @!p0 s3, s7;
	s7 =	simm.s32 @!p0 $0x108  }
0x21: {  	s3 =	sadd.s32 s3, s9;
	s6 =	sadd.s32 @!p0 $0x88, s6;
	s7 =	simm.s32 @p2 $0x1082  }
0x22: {  	[simem:s7], [sflag:s8] =	dma.local @!p0 [hbm:s6], $0xF7A  }
0x23: {  	s9 =	sor.u32 $0xD0000000, s2;
	s6 =	simm.s32 $0x108;
	_ =	swait.ge @!p0 [sflag:s8], $0x0  }
0x24: {  	s3 =	sadd.s32 $0x88, s3;
	s6 =	simm.s32 @!p1 $0x1082;
	[sflag:s4] =	ssyncset.s32 $0xFFFFF086  }
0x25: {  	[simem:s6], [sflag:s4] =	dma.local [hbm:s3], $0xF7A  }
0x26: {  	[smem:$0x3F94] =	sst s1;
	(tag) =	ssettag s2;
	_ =	strace s9  }
0x27: {  	s1 =	sld [smem:$0x3FA4]  }
0x28: {  	s2 =	sld [smem:$0x3FA5]  }
0x29: {  	s4 =	sld [smem:$0x3FA7]  }
0x2a: {  	p0 =	seq.s32 s5, $0x0;
	s5 =	sld [smem:$0x3FA8]  }
0x2b: {  	s6 =	sld [smem:$0x3FA9]  }
0x2c: {  	s7 =	sld [smem:$0x3FAA]  }
0x2d: {  	s3 =	simm.s32 $0x108;
	s8 =	sld [smem:$0x3FAB]  }
0x2e: {  	s3 =	simm.s32 @!p0 $0x1082;
	s9 =	sld [smem:$0x3FAC]  }
0x2f: {  	lr =	sadd.s32 s0, s3;
	s0 =	sld [smem:$0x3FA3]  }
0x30: {  	s3 =	sld [smem:$0x3FA6]  }
0x31: {  	[smem:$0x3FAF] =	sst s10  }
0x32: {  	s10 =	sld [smem:$0x3FAD];
	_ =	sdelay $0x3  }
0x33: {  	p0 =	seq.s32 s10, $0x1;
	s10 =	sld [smem:$0x3FAF];
	_ =	sdelay $0x3  }
0x34: {  	[smem:$0x3FAF] =	sst s10  }
0x35: {  	s10 =	sld [smem:$0x3FAE];
	_ =	sdelay $0x3  }
0x36: {  	p1 =	seq.s32 s10, $0x1;
	s10 =	sld [smem:$0x3FAF];
	_ =	sdelay $0x3  }
0x37: {  	[smem:$0x3FAF] =	sst s10  }
0x38: {  	s10 =	sld [smem:$0x3FB0]  }
0x39: {  	_ = 	snop;
	(pc) =	sbr.ind lr, $3  }
0x3a: {  	_ = 	snop  }
0x3b: {  	_ = 	snop  }
0x3c: {  	p2 =	seq.s32 s10, $0x1;
	s10 =	sld [smem:$0x3FAF]  }
0x3d: {  	_ =	shalt  }
0x3e: {  	_ =	shalt  }
0x3f: {  	_ =	shalt  }
0x40: {  	_ =	shalt  }
0x41: {  	_ =	shalt  }
0x42: {  	_ =	shalt  }
0x43: {  	_ =	shalt  }
0x44: {  	_ =	shalt  }
0x45: {  	_ =	shalt  }
0x46: {  	_ =	shalt  }
0x47: {  	_ =	shalt  }
0x48: {  	_ =	shalt  }
0x49: {  	_ =	shalt  }
0x4a: {  	_ =	shalt  }
0x4b: {  	_ =	shalt  }
0x4c: {  	_ =	shalt  }
0x4d: {  	_ =	shalt  }
0x4e: {  	_ =	shalt  }
0x4f: {  	_ =	shalt  }
0x50: {  	_ =	shalt  }
0x51: {  	_ =	shalt  }
0x52: {  	_ =	shalt  }
0x53: {  	_ =	shalt  }
0x54: {  	_ =	shalt  }
0x55: {  	_ =	shalt  }
0x56: {  	_ =	shalt  }
0x57: {  	_ =	shalt  }
0x58: {  	_ =	shalt  }
0x59: {  	_ =	shalt  }
0x5a: {  	_ =	shalt  }
0x5b: {  	_ =	shalt  }
0x5c: {  	_ =	shalt  }
0x5d: {  	_ =	shalt  }
0x5e: {  	_ =	shalt  }
0x5f: {  	_ =	shalt  }
0x60: {  	_ =	shalt  }
0x61: {  	_ =	shalt  }
0x62: {  	_ =	shalt  }
0x63: {  	_ =	shalt  }
0x64: {  	_ =	shalt  }
0x65: {  	_ =	shalt  }
0x66: {  	_ =	shalt  }
0x67: {  	_ =	shalt  }
0x68: {  	_ =	shalt  }
0x69: {  	_ =	shalt  }
0x6a: {  	_ =	shalt  }
0x6b: {  	_ =	shalt  }
0x6c: {  	_ =	shalt  }
0x6d: {  	_ =	shalt  }
0x6e: {  	_ =	shalt  }
0x6f: {  	_ =	shalt  }
0x70: {  	_ =	shalt  }
0x71: {  	_ =	shalt  }
0x72: {  	_ =	shalt  }
0x73: {  	_ =	shalt  }
0x74: {  	_ =	shalt  }
0x75: {  	_ =	shalt  }
0x76: {  	_ =	shalt  }
0x77: {  	_ =	shalt  }
0x78: {  	_ =	shalt  }
0x79: {  	_ =	shalt  }
0x7a: {  	_ =	shalt  }
0x7b: {  	_ =	shalt  }
0x7c: {  	_ =	shalt  }
0x7d: {  	_ =	shalt  }
0x7e: {  	_ =	shalt  }
0x7f: {  	_ =	shalt  }
0x80: {  	_ =	shalt  }
0x81: {  	_ =	shalt  }
0x82: {  	_ =	shalt  }
0x83: {  	_ =	shalt  }
0x84: {  	_ =	shalt  }
0x85: {  	_ =	shalt  }
0x86: {  	_ =	shalt  }
0x87: {  	_ =	shalt  }
.Lfunc_end0:
.L_simem_size_0:
called_computation.3_lowered:
.L_overlay_start_0:
0x88: {  	s2 =	sld [smem:$0x3FD9]  }
0x89: {  	s3 =	sld [smem:$0x3FFE];
	_ =	sdelay $0x1  }
0x8a: {  	s1 =	srdreg.scid  }
0x8b: {  	s0 =	sand.u32 $0x1, s1  }
0x8c: {  	s16 =	sshll.u32 s0, $0xA;
	s2 =	sadd.s32 s3, s2  }
0x8d: {  	s2 =	sadd.s32 s2, s16  }
0x8e: {  	[smem:$0x3FBB] =	sst s2  }
0x8f: {  	_ = 	snop  }
0x90: {  	(tm) =	ssettm $0x1  }
0x91: {  	s17 =	sld [smem:$0x3FFB];
	_ =	sdelay $0x3  }
0x92: {  	_ =	strace s17  }
0x93: {  	s2 =	sld [smem:$0x3FFC];
	_ =	sdelay $0x3  }
0x94: {  	_ =	strace s2  }
0x95: {  	s2 =	sld [smem:$0x3FFD];
	_ =	sdelay $0x3  }
0x96: {  	_ =	strace s2  }
0x97: {  	_ =	strace $0x8FFFFFFF  }
0x98: {  	s18 =	sld [smem:$0x3FDB];
	_ =	sdelay $0x1  }
0x99: {  	s19 =	simm.s32 $_scs_section_size  }
0x9a: {  	s4 =	simm.s32 $_size__tile_overlayer_lowered;
	s5 =	simm.s32 $_tile_overlayer_lowered  }
0x9b: {  	s22 =	simm.s32 $0x1BFF;
	s21 =	sshll.u32 s5, $0x1;
	s2 =	sadd.s32 s19, s18  }
0x9c: {  	s6 =	simm.s32 $0x0;
	s20 =	sshll.u32 s4, $0x1;
	s4 =	sadd.s32 s21, s2  }
0x9d: {  	[timem:s6], [sflag:s22] =	dma.local [hbm:s4], s20  }
0x9e: {  	_ =	swait.ge [sflag:s22], s20  }
0x9f: {  	s3 =	ssub.s32 $0x0, s20;
	[sflag:s22] =	ssyncset.done $0x0  }
0xa0: {  	[sflag:s22] =	ssyncadd.s32 s3;
	_ =	sdelay $0x1  }
0xa1: {  	s23 =	simm.s32 $0x1B8B  }
0xa2: {  	_ =	swait.ge [sflag:s23], $0x1  }
0xa3: {  	[sflag:s23] =	ssyncset.done $0x0  }
0xa4: {  	s25 =	simm.s32 $0x1B8E;
	s24 =	sld [smem:$0x3FFE];
	[sflag:s23] =	ssyncadd.s32 $0xFFFFFFFF  }
0xa5: {  	s26 =	simm.s32 $execute0_lowered;
	[smem:$0x3FD2] =	sst s25  }
0xa6: {  	s4 =	sshll.u32 s26, $0x1;
	_ =	strace $0x8000004F;
	[dreg:$0x1] =	wrdreg $0xFFFFFFFF  }
0xa7: {  	s28 =	simm.s32 $_size_execute0_lowered;
	s2 =	sadd.s32 s2, s4;
	[dreg:$0x0] =	wrdreg $0x0  }
0xa8: {  	s4 =	sshll.u32 s28, $0x1;
	[dreg:$0x2] =	wrdreg s2  }
0xa9: {  	[dreg:$0x3] =	wrdreg s4  }
0xaa: {  	[dreg:$0x4] =	wrdreg $0xC0  }
0xab: {  	_ =	task [dreg:s6], $0x5FFFF  }
0xac: {  	[dreg:$0x1] =	wrdreg $0xFFFFFFFF  }
0xad: {  	[dreg:$0x0] =	wrdreg $0x60  }
0xae: {  	[dreg:$0x2] =	wrdreg s24  }
0xaf: {  	[dreg:$0x3] =	wrdreg $0xA0800  }
0xb0: {  	[dreg:$0x4] =	wrdreg $0x9  }
0xb1: {  	_ =	task.clear_ibuf [dreg:s6], $0x5FFFF;
	_ =	strace $0x9000004F  }
0xb2: {  	s29 =	simm.s32 $0x9;
	_ =	strace $0x80000051  }
0xb3: {  	_ =	swait.ge [sflag:s29], $0x1  }
0xb4: {  	[sflag:s29] =	ssyncadd.s32 $0xFFFFFFFF  }
0xb5: {  	_ =	strace $0x90000051  }
0xb6: {  	_ =	sfence  }
0xb7: {  	s30 =	sld [smem:$0x0];
	_ =	sdelay $0x2  }
0xb8: {  	s31 =	sshll.u32 s1, $0xD;
	s1 =	sshrl.u32 s1, $0x2  }
0xb9: {  	s3 =	sand.u32 $0x4000, s31;
	s1 =	sadd.s32 s1, s30  }
0xba: {  	s0 =	sor.u32 s3, s0;
	s1 =	sshll.u32 s1, $0x11  }
0xbb: {  	s0 =	sor.u32 s1, s0  }
0xbc: {  	s0 =	sadd.s32 $0x8F2B, s0  }
0xbd: {  	[sflag:s0] =	ssyncadd.remote.s32 $0x1  }
0xbe: {  	_ =	sfence.sel $0xFFFF  }
0xbf: {  	[dreg:$0x0] =	wrdreg $0xFFFFFFFF;
	(pc) =	sbr.abs _section_cstart, $3  }
0xc0: {  	[dreg:$0x1] =	wrdreg $0xFFFFFFFF  }
0xc1: {  	_ =	task.clear_ibuf [dreg:s6], $0x2FFFF;
	_ =	strace $0x9FFFFFFF  }
0xc2: {  	(tm) =	ssettm $0x7FFFFFFF  }
0xc3: {  	_ =	shalt  }
tec
execute0_lowered:
.L_overlay_start_1:
0x0: {  	(tag) =	ssettag $0x1  }
0x1: {  	s7 =	rddreg [dreg:$0x0]  }
0x2: {  	s0 =	srdreg.scid;
	s2 =	rddreg [dreg:$0x1];
	s3 =	simm.s32 $0x0  }
0x3: {  	s14 =	simm.s32 $0x4;
	s15 =	simm.s32 $0x2780;
	s16 =	simm.s32 $0x50  }
0x4: {  	s17 =	simm.s32 $0x2880;
	s18 =	simm.s32 $0x5080;
	s19 =	simm.s32 $0x2  }
0x5: {  	s20 =	simm.s32 $0x1;
	s21 =	simm.s32 $0x3;
	s6 =	sand.u32 $0x1, s0  }
0x6: {  	s23 =	simm.s32 $0x0;
	s0 =	stileid.u32;
	s26 =	smul.u32 $0x13C000, s6  }
0x7: {  	[smem:$0x7FF] =	sst s3;
	s1 =	sshll.u32 s6, $0x4;
	s10 =	smul.u32 $0x13C00, s0  }
0x8: {  	s8 =	sshll.u32 s0, $0x7;
	_ =	strace $0x80000050;
	s28 =	smul.u32 $0x4E200, s0  }
0x9: {  	s6 =	ssub.s32 $0x2, s6;
	s22 =	sshll.u32 s0, $0x6;
	s5 =	sor.u32 s0, s1  }
0xa: {  	s8 =	sand.u32 $0x380, s8;
	s29 =	sshrl.u32 s6, $0x1;
	s1 =	sshrl.u32 s5, $0x3  }
0xb: {  	s5 =	sshll.u32 s5, $0xB;
	s30 =	sshrl.u32 s28, $0x2;
	s31 =	ssub.s32 s6, s29  }
0xc: {  	s6 =	sor.u32 $0x1C02, s22;
	s22 =	sor.u32 $0x1C04, s22;
	s4 =	smul.u32 $0x13C00, s1  }
0xd: {  	s11 =	sadd.s32 s5, s7;
	s5 =	sadd.s32 $0x15800, s7;
	s13 =	sadd.s32 s30, s2  }
.Ltmp0:
0xe: {  	s4 =	sor.u32 s8, s4;
	s8 =	sadd.s32 s10, s26;
	(pc) =	sbr.rel .LBB2_1-.Ltmp0, $4  }
0xf: {  	s10 =	smax.u32 s31, $0x1;
	s9 =	sshrl.u32 s4, $0x3;
	s8 =	sshrl.u32 s8, $0x3  }
0x10: {  	s4 =	sadd.s32 $0x18000, s7;
	s9 =	sadd.s32 s9, s7;
	s12 =	sadd.s32 s8, s7  }
0x11: {  	s8 =	sadd.s32 $0x5800, s11;
	s11 =	sshrl.u32 s13, $0x3;
	s13 =	simm.s32 $0x400  }
0x12: {  	s7 =	sadd.s32 $0x67600, s9;
	s9 =	sadd.s32 $0x71400, s12;
	s12 =	simm.s32 $0x80  }
.LBB2_5:
0x13: {  	_ =	swait.ge [sflag:s19], $0x2800  }
0x14: {  	s23 =	sadd.s32 $0x1, s23;
	[sflag:s19] =	ssyncset.done $0x0  }
0x15: {  	p0 =	sne.s32 s23, s10;
	[sflag:s19] =	ssyncadd.s32 $0xFFFFD800  }
.Ltmp1:
0x16: {  	[bflag:$0x0] =	sbarrier.arrive $0xFFFF;
	(pc) =	sbr.rel @!p0 .LBB2_6-.Ltmp1, $4  }
0x17: {  	[hbm:s9], [sflag:s22] =	dma.local [spmem:s11], $0x2710  }
0x18: {  	_ =	swait.ge [sflag:s14], $0x2710  }
0x19: {  	[sflag:s14] =	ssyncset.done $0x0  }
0x1a: {  	[sflag:s14] =	ssyncadd.s32 $0xFFFFD8F0  }
.LBB2_1:
0x1b: {  	[spmem:s11], [sflag:s6] =	dma.local [hbm:s5], $0x2710  }
0x1c: {  	[tilespmem:s3], [sflag:$0x4] =	stream.strided.gather [hbm4b:s7+s12], $0x2780, s13, s12, $0x38;
	[tilespmem:$0x1D900] =	vst v63  }
0x1d: {  	_ =	swait.ge [sflag:s14], $0x2780  }
0x1e: {  	[sflag:s14] =	ssyncset.done $0x0  }
0x1f: {  	[sflag:s14] =	ssyncadd.s32 $0xFFFFD880  }
0x20: {  	[tilespmem:s15], [sflag:$0x3] =	stream.linear.gather [hbm4b:s8+s3], $0x80, $0x38;
	[tilespmem:$0x1D900] =	vst v63  }
0x21: {  	_ = 	snop  }
0x22: {  	[tilespmem:s17], [sflag:$0x1] =	stream.indirect.gather [hbm4b:s4+s16], $0x80, s3, s16, $0xb8;
	[tilespmem:$0x1D900] =	vst v63  }
0x23: {  	_ = 	snop  }
0x24: {  	[tilespmem:s18], [sflag:$0x1] =	stream.indirect.gather [hbm4b:s4+s16], $0x80, s16, s16, $0xb8;
	[tilespmem:$0x1D900] =	vst v63  }
.Ltmp2:
0x25: {  	_ =	swait.ge [sflag:s19], $0x2710;
	(pc) =	sbr.rel .LBB2_2-.Ltmp2, $4  }
0x26: {  	[sflag:s19] =	ssyncset.done $0x0  }
0x27: {  	[sflag:s19] =	ssyncadd.s32 $0xFFFFD8F0  }
0x28: {  	[bflag:$0x0] =	sbarrier.arrive $0xFFFF  }
0x29: {  	s24 =	simm.s32 $0x0  }
.LBB2_4:
0x2a: {  	s1 =	smul.u32 $0xAB, s24;
	_ =	sdelay $0x1  }
0x2b: {  	s1 =	sshrl.u32 s1, $0x9  }
0x2c: {  	s1 =	sand.u32 $0x7F, s1  }
0x2d: {  	s1 =	smul.u32 $0x3, s1;
	_ =	sdelay $0x1  }
0x2e: {  	_ =	swait.ge [sflag:s20], $0x2800;
	s1 =	ssub.s32 s24, s1  }
0x2f: {  	[sflag:s20] =	ssyncset.done $0x0;
	s1 =	sand.u32 $0xFF, s1  }
0x30: {  	p0 =	slt.u32 s25, $0x7D;
	[sflag:s20] =	ssyncadd.s32 $0xFFFFD800;
	s1 =	smul.u32 $0xA000, s1  }
.Ltmp3:
0x31: {  	_ =	swait.ge [sflag:s21], $0x80;
	(pc) =	sbr.rel @!p0 .LBB2_5-.Ltmp3, $4  }
0x32: {  	s31 =	sshll.u32 s26, $0x7;
	[sflag:s21] =	ssyncset.done $0x0;
	s1 =	sshrl.u32 s1, $0x2  }
0x33: {  	[sflag:s21] =	ssyncadd.s32 $0xFFFFFF80;
	s24 =	sadd.s32 $0x2780, s31;
	s1 =	sadd.s32 $0x2880, s1  }
0x34: {  	[spmem:s2] =	stream.indirect.scatter.add.f32 [tilespmem:s1], [sflag:$0x2], $0x80, s24, s16, $0xb8;
	[tilespmem:$0x1D900] =	vst v63  }
0x35: {  	s24 =	smov.u32 s25  }
.LBB2_2:
0x36: {  	p1 =	seq.s32 s24, $0x0  }
0x37: {  	p0 =	seq.s32 @!p1 s24, $0x7C  }
0x38: {  	p0 =	por p1, !p0  }
.Ltmp4:
0x39: {  	_ = 	snop;
	(pc) =	sbr.rel @!p0 .LBB2_4-.Ltmp4, $4  }
0x3a: {  	s25 =	simm.s32 @!p1 $0x2  }
0x3b: {  	_ =	swait.ge @!p1 [sflag:s25], $0x2800  }
0x3c: {  	[sflag:s25] =	ssyncset.done @!p1 $0x0  }
0x3d: {  	s26 =	sand.u32 $0x1, s24;
	[sflag:s25] =	ssyncadd.s32 @!p1 $0xFFFFD800;
	s25 =	simm.s32 @!p1 $0x7D  }
0x3e: {  	p0 =	sgt.u32 s24, $0x7A  }
0x3f: {  	s25 =	sadd.s32 @!p1 $0x1, s24;
	s28 =	sadd.s32 @!p0 $0x2, s24  }
0x40: {  	s25 =	simm.s32 @p1 $0x1;
	s29 =	smul.u32 @!p0 $0xAB, s28  }
0x41: {  	s30 =	sshll.u32 s25, $0x4  }
0x42: {  	s1 =	sshll.u32 s26, $0x7;
	s31 =	sand.u32 $0xF80, s30;
	s29 =	sshrl.u32 @!p0 s29, $0x9  }
0x43: {  	s30 =	sand.u32 $0x70, s30;
	s31 =	sadd.s32 s31, s8;
	s29 =	sand.u32 @!p0 $0x7F, s29  }
0x44: {  	s1 =	ssub.s32 $0x2800, s1;
	s30 =	sadd.s32 s30, s31;
	s29 =	smul.u32 @!p0 $0x3, s29  }
0x45: {  	[tilespmem:s1], [sflag:$0x3] =	stream.linear.gather [hbm4b:s30+s3], $0x80, $0x38;
	[tilespmem:$0x1D900] =	vst v63  }
0x46: {  	s1 =	ssub.s32 @!p0 s28, s29  }
0x47: {  	s1 =	sand.u32 @!p0 $0xFF, s1  }
0x48: {  	s1 =	smul.u32 @!p0 $0xA000, s1  }
.Ltmp5:
0x49: {  	_ = 	snop;
	(pc) =	sbr.rel .LBB2_4-.Ltmp5, $4  }
0x4a: {  	s28 =	smul.u32 @!p0 $0x140, s28  }
0x4b: {  	s1 =	sshrl.u32 @!p0 s1, $0x2  }
0x4c: {  	s29 =	simm.s32 @!p0 $0x50;
	s28 =	sshra.s32 @!p0 s28, $0x2;
	s1 =	sadd.s32 @!p0 $0x2880, s1  }
0x4d: {  	[tilespmem:s1], [sflag:$0x1] =	stream.indirect.gather @!p0 [hbm4b:s4+s29], $0x80, s28, s29, $0xb8;
	[tilespmem:$0x1D900] =	vst v63  }
.LBB2_6:
0x4e: {  	_ =	sfence.sel $0x180000  }
0x4f: {  	[bflag:$0x0] =	sbarrier.arrive $0xFFFF  }
0x50: {  	_ =	strace $0x90000050  }
0x51: {  	[bflag:$0x2] =	sbarrier.arrive $0xFFFF  }
0x52: {  	p0 =	sne.s32 s0, $0x0;
	s0 =	rddreg [dreg:$0x2]  }
0x53: {  	s0 =	sadd.s32 @!p0 $0x100000, s0  }
0x54: {  	[sflag:s0] =	ssyncadd.tile.s32 @!p0 $0x1;
	_ =	shalt  }
.Lfunc_end2:
_tile_overlayer_lowered:
.L_overlay_start_2:
0x55: {  	(tag) =	ssettag $0x2  }
0x56: {  	s0 =	rddreg [dreg:$0x0];
	s2 =	stileid.u32  }
0x57: {  	s1 =	rddreg [dreg:$0x1];
	p0 =	sne.s32 s2, $0x0  }
0x58: {  	s3 =	rddreg [dreg:$0x2];
	[bflag:$0x3] =	sbarrier.arrive $0xFFFF;
	s2 =	simm.s32 @!p0 $0x1C04  }
0x59: {  	[timem:s3], [sflag:s2] =	dma.local @!p0 [hbm:s0], s1  }
0x5a: {  	s0 =	simm.s32 @!p0 $0x4  }
0x5b: {  	_ =	swait.ge @!p0 [sflag:s0], s1  }
0x5c: {  	s1 =	ssub.s32 @!p0 $0x0, s1;
	[sflag:s0] =	ssyncset.done @!p0 $0x0  }
0x5d: {  	[sflag:s0] =	ssyncadd.s32 @!p0 s1  }
0x5e: {  	[bflag:$0x3] =	sbarrier.arrive $0xFFFF  }
0x5f: {  	_ =	shalt  }

</sc_bundles>
